<compile_context>
chip_gen: v7x
topology: tpu7x:2x2x1
jax: 0.10.2.dev20260603
libtpu: 0.0.44.dev20260713+nightly
codegen_flags: <defaults>
</compile_context>

<pallas_src>
import functools

import jax
import jax.numpy as jnp
from jax import lax
from jax.experimental import pallas as pl
from jax.experimental.pallas import tpu as pltpu
from jax.experimental.pallas import tpu_sc as plsc

B, L = 1024, 200
H = 128
NHALF = 2
BH = B // NHALF
NT = BH * L
NC, NS = 2, 16
NW = NC * NS
TOK_PER_W = NT // NW
CHUNK = 128
NCHUNK = TOK_PER_W // CHUNK
NBUF = 5
AHEAD = 4
EPS = 1e-12
BB = 32
NSTEP = BH // BB


def _sc_gather_body(ids_hbm, wtab_hbm, out_hbm, idxall, *bufs_and_sems):
    bufs = bufs_and_sems[:NBUF]
    gsems = bufs_and_sems[NBUF:2 * NBUF]
    ssems = bufs_and_sems[2 * NBUF:]
    wid = lax.axis_index("s") * NC + lax.axis_index("c")
    base = wid * TOK_PER_W

    pltpu.sync_copy(ids_hbm.at[wid], idxall)

    for c in range(AHEAD):
        pltpu.async_copy(wtab_hbm.at[idxall.at[c]], bufs[c], gsems[c])

    @pl.loop(0, NCHUNK // NBUF)
    def _superiter(gi):
        for b in range(NBUF):
            c = gi * NBUF + b
            pltpu.make_async_copy(
                wtab_hbm.at[pl.ds(0, CHUNK)], bufs[b], gsems[b]).wait()

            b2 = (b + AHEAD) % NBUF

            @pl.when(c + AHEAD < NCHUNK)
            def _():
                @pl.when(c + AHEAD >= NBUF)
                def _():
                    pltpu.make_async_copy(
                        bufs[b2], out_hbm.at[pl.ds(base, CHUNK)],
                        ssems[b2]).wait()
                pltpu.async_copy(
                    wtab_hbm.at[idxall.at[c + AHEAD]], bufs[b2], gsems[b2])

            pltpu.async_copy(
                bufs[b], out_hbm.at[pl.ds(base + c * CHUNK, CHUNK)],
                ssems[b])

    for c in range(NCHUNK - NBUF, NCHUNK):
        b = c % NBUF
        pltpu.make_async_copy(
            bufs[b], out_hbm.at[pl.ds(base + c * CHUNK, CHUNK)],
            ssems[b]).wait()


_sc_gather = pl.kernel(
    _sc_gather_body,
    out_type=jax.ShapeDtypeStruct((NT, H), jnp.float32),
    mesh=plsc.VectorSubcoreMesh(
        core_axis_name="c", subcore_axis_name="s",
        num_cores=NC, num_subcores=NS),
    scratch_types=(
        [pltpu.VMEM((NCHUNK, CHUNK), jnp.int32)]
        + [pltpu.VMEM((CHUNK, H), jnp.float32) for _ in range(NBUF)]
        + [pltpu.SemaphoreType.DMA for _ in range(2 * NBUF)]
    ),
)


def _tc_ln_body(acc_ref, x_ref, pos_ref, g_ref, b_ref, o_ref):
    del acc_ref
    x = x_ref[...] + pos_ref[...][None, :, :]
    mean = jnp.mean(x, axis=-1, keepdims=True)
    xc = x - mean
    var = jnp.mean(xc * xc, axis=-1, keepdims=True)
    normed = xc * lax.rsqrt(var + EPS)
    o_ref[...] = normed * g_ref[0][None, None, :] + b_ref[0][None, None, :]


def _tc_ln_first_body(x_ref, pos_ref, g_ref, b_ref, o_ref):
    _tc_ln_body(None, x_ref, pos_ref, g_ref, b_ref, o_ref)


_tc_ln_first = pl.pallas_call(
    _tc_ln_first_body,
    grid=(NSTEP,),
    in_specs=[
        pl.BlockSpec((BB, L, H), lambda i: (i, 0, 0)),
        pl.BlockSpec((L, H), lambda i: (0, 0)),
        pl.BlockSpec((1, H), lambda i: (0, 0)),
        pl.BlockSpec((1, H), lambda i: (0, 0)),
    ],
    out_specs=pl.BlockSpec((BB, L, H), lambda i: (i, 0, 0)),
    out_shape=jax.ShapeDtypeStruct((B, L, H), jnp.float32),
)

_tc_ln_second = pl.pallas_call(
    _tc_ln_body,
    grid=(NSTEP,),
    in_specs=[
        pl.BlockSpec(memory_space=pl.ANY),
        pl.BlockSpec((BB, L, H), lambda i: (i, 0, 0)),
        pl.BlockSpec((L, H), lambda i: (0, 0)),
        pl.BlockSpec((1, H), lambda i: (0, 0)),
        pl.BlockSpec((1, H), lambda i: (0, 0)),
    ],
    out_specs=pl.BlockSpec((BB, L, H), lambda i: (i + NSTEP, 0, 0)),
    out_shape=jax.ShapeDtypeStruct((B, L, H), jnp.float32),
    input_output_aliases={0: 0},
)


@jax.jit
def kernel(input_ids, word_table, pos_table, gamma, beta):
    ids = input_ids.astype(jnp.int32).reshape(NHALF, NW, NCHUNK, CHUNK)
    pos = pos_table[:L]
    g2 = gamma.reshape(1, H)
    b2 = beta.reshape(1, H)

    gathered = [_sc_gather(ids[h], word_table) for h in range(NHALF)]

    out = _tc_ln_first(gathered[0].reshape(BH, L, H), pos, g2, b2)
    return _tc_ln_second(out, gathered[1].reshape(BH, L, H), pos, g2, b2)

# --- scband reference (transcript-rebuilt; emitter-appended) ---
"""Pipeline reference for scband-bert-embeddings-2078764171867 (READ-ONLY COPY).

The authoritative reference and input builder live on the scoring server;
editing this copy changes nothing except your own understanding.
"""

import jax, jax.numpy as jnp
import numpy as np

B, L = 1024, 200
VOCAB = 100000
MAXPOS = 512
H = 128
EPS = 1e-12

def setup_inputs(seed: int = 0) -> dict:
    key = jax.random.key(seed)
    k1, k2, k3 = jax.random.split(key, 3)
    input_ids = jax.random.randint(k1, (B, L), 0, VOCAB, dtype=jnp.int64) if jax.config.jax_enable_x64 else jax.random.randint(k1, (B, L), 0, VOCAB, dtype=jnp.int32)
    word_table = jax.random.normal(k2, (VOCAB, H), dtype=jnp.float32) * 0.02
    pos_table = jax.random.normal(k3, (MAXPOS, H), dtype=jnp.float32) * 0.02
    gamma = jnp.ones((H,), dtype=jnp.float32)
    beta = jnp.zeros((H,), dtype=jnp.float32)
    return {"input_ids": input_ids, "word_table": word_table, "pos_table": pos_table, "gamma": gamma, "beta": beta}

def reference(input_ids, word_table, pos_table, gamma, beta):
    seq_length = input_ids.shape[1]
    position_ids = jnp.broadcast_to(jnp.arange(seq_length, dtype=input_ids.dtype)[None, :], input_ids.shape)
    words_embeddings = jnp.take(word_table, input_ids, axis=0)
    position_embeddings = jnp.take(pos_table, position_ids, axis=0)
    embeddings = words_embeddings + position_embeddings
    mean = jnp.mean(embeddings, axis=-1, keepdims=True)
    var = jnp.mean((embeddings - mean) ** 2, axis=-1, keepdims=True)
    normed = (embeddings - mean) / jnp.sqrt(var + EPS)
    out = normed * gamma + beta
    # dropout p=0.0 -> identity
    return out

if __name__ == "__main__":
    import jax
    _d = setup_inputs()
    print(jax.jit(kernel)(*tuple(_d.values())))

</pallas_src>

<mosaic_0001>
#map = affine_map<(d0, d1) -> (0, 0, 0)>
#map1 = affine_map<(d0, d1) -> (0, 0)>
module attributes {stable_mosaic.version = 14 : i64} {
  func.func @_sc_gather_body(%arg0: i32, %arg1: i32, %arg2: memref<32x25x128xi32, #tpu.memory_space<hbm>>, %arg3: memref<100000x128xf32, #tpu.memory_space<hbm>>, %arg4: memref<102400x128xf32, #tpu.memory_space<hbm>>, %arg5: memref<25x128xi32, #tpu.memory_space<vmem>>, %arg6: memref<128x128xf32, #tpu.memory_space<vmem>>, %arg7: memref<128x128xf32, #tpu.memory_space<vmem>>, %arg8: memref<128x128xf32, #tpu.memory_space<vmem>>, %arg9: memref<128x128xf32, #tpu.memory_space<vmem>>, %arg10: memref<128x128xf32, #tpu.memory_space<vmem>>, %arg11: memref<!tpu.dma_semaphore, #tpu.memory_space<semaphore_mem>>, %arg12: memref<!tpu.dma_semaphore, #tpu.memory_space<semaphore_mem>>, %arg13: memref<!tpu.dma_semaphore, #tpu.memory_space<semaphore_mem>>, %arg14: memref<!tpu.dma_semaphore, #tpu.memory_space<semaphore_mem>>, %arg15: memref<!tpu.dma_semaphore, #tpu.memory_space<semaphore_mem>>, %arg16: memref<!tpu.dma_semaphore, #tpu.memory_space<semaphore_mem>>, %arg17: memref<!tpu.dma_semaphore, #tpu.memory_space<semaphore_mem>>, %arg18: memref<!tpu.dma_semaphore, #tpu.memory_space<semaphore_mem>>, %arg19: memref<!tpu.dma_semaphore, #tpu.memory_space<semaphore_mem>>, %arg20: memref<!tpu.dma_semaphore, #tpu.memory_space<semaphore_mem>>) attributes {dimension_semantics = [#tpu.dimension_semantics<core_parallel>, #tpu.dimension_semantics<subcore_parallel>], iteration_bounds = array<i64: 2, 16>, scalar_prefetch = 0 : i64, scratch_operands = 16 : i64, tpu.core_type = #tpu.core_type<sc_vector_subcore>, window_params = [{transform_indices = #map}, {transform_indices = #map1}, {transform_indices = #map1}]} {
    %mul3A = arith.constant 2 : i32
    %mul3A_0 = arith.muli %arg1, %mul3A : i32
    %add3A = arith.addi %mul3A_0, %arg0 : i32
    %mul3A_1 = arith.constant 3200 : i32
    %mul3A_2 = arith.muli %add3A, %mul3A_1 : i32
    "tpu.region"() ({
      %run_scoped3A = tpu.sem_alloc : memref<!tpu.dma_semaphore, #tpu.memory_space<semaphore_mem>>
      %dma_start3A_63 = arith.constant 0 : i32
      %dma_start3A_64 = arith.constant 0 : i32
      %dma_start3A_65 = tpu.memref_slice %arg2[%add3A, %dma_start3A_63, %dma_start3A_64] : memref<32x25x128xi32, #tpu.memory_space<hbm>> -> memref<1x25x128xi32, #tpu.memory_space<hbm>>
      %dma_start3A_66 = tpu.memref_squeeze %dma_start3A_65 : memref<1x25x128xi32, #tpu.memory_space<hbm>> -> memref<25x128xi32, #tpu.memory_space<hbm>>
      %dma_start3A_67 = arith.constant 0 : i32
      %dma_start3A_68 = arith.constant 0 : i32
      %dma_start3A_69 = tpu.memref_slice %arg2[%add3A, %dma_start3A_67, %dma_start3A_68] : memref<32x25x128xi32, #tpu.memory_space<hbm>> -> memref<1x25x128xi32, #tpu.memory_space<hbm>>
      %dma_start3A_70 = tpu.memref_squeeze %dma_start3A_69 : memref<1x25x128xi32, #tpu.memory_space<hbm>> -> memref<25x128xi32, #tpu.memory_space<hbm>>
      tpu.enqueue_dma source(%dma_start3A_70 : memref<25x128xi32, #tpu.memory_space<hbm>>) target(%arg5 : memref<25x128xi32, #tpu.memory_space<vmem>>) target_semaphore(%run_scoped3A : memref<!tpu.dma_semaphore, #tpu.memory_space<semaphore_mem>>)
      %dma_wait3A_71 = arith.constant 0 : i32
      %dma_wait3A_72 = arith.constant 0 : i32
      %dma_wait3A_73 = tpu.memref_slice %arg2[%add3A, %dma_wait3A_71, %dma_wait3A_72] : memref<32x25x128xi32, #tpu.memory_space<hbm>> -> memref<1x25x128xi32, #tpu.memory_space<hbm>>
      %dma_wait3A_74 = tpu.memref_squeeze %dma_wait3A_73 : memref<1x25x128xi32, #tpu.memory_space<hbm>> -> memref<25x128xi32, #tpu.memory_space<hbm>>
      %dma_wait3A_75 = arith.constant 0 : i32
      %dma_wait3A_76 = arith.constant 0 : i32
      %dma_wait3A_77 = tpu.memref_slice %arg2[%add3A, %dma_wait3A_75, %dma_wait3A_76] : memref<32x25x128xi32, #tpu.memory_space<hbm>> -> memref<1x25x128xi32, #tpu.memory_space<hbm>>
      %dma_wait3A_78 = tpu.memref_squeeze %dma_wait3A_77 : memref<1x25x128xi32, #tpu.memory_space<hbm>> -> memref<25x128xi32, #tpu.memory_space<hbm>>
      tpu.wait_dma2 semaphore(%run_scoped3A : memref<!tpu.dma_semaphore, #tpu.memory_space<semaphore_mem>>) src(%dma_wait3A_78 : memref<25x128xi32, #tpu.memory_space<hbm>>) dst(%arg5 : memref<25x128xi32, #tpu.memory_space<vmem>>)
      tpu.yield
    }) : () -> ()
    %dma_start3A = arith.constant 0 : i32
    %dma_start3A_3 = arith.constant 0 : i32
    %dma_start3A_4 = tpu.memref_slice %arg5[%dma_start3A, %dma_start3A_3] : memref<25x128xi32, #tpu.memory_space<vmem>> -> memref<1x128xi32, #tpu.memory_space<vmem>>
    %dma_start3A_5 = tpu.memref_squeeze %dma_start3A_4 : memref<1x128xi32, #tpu.memory_space<vmem>> -> memref<128xi32, #tpu.memory_space<vmem>>
    %dma_start3A_6 = arith.constant 0 : i32
    %dma_start3A_7 = arith.constant 0 : i32
    %dma_start3A_8 = tpu.memref_slice %arg3[%dma_start3A_6, %dma_start3A_7] : memref<100000x128xf32, #tpu.memory_space<hbm>> -> memref<100000x128xf32, #tpu.memory_space<hbm>>
    tpu.enqueue_indirect_dma source(%dma_start3A_8 : memref<100000x128xf32, #tpu.memory_space<hbm>>) target(%arg6 : memref<128x128xf32, #tpu.memory_space<vmem>>) offsets(%dma_start3A_5 : memref<128xi32, #tpu.memory_space<vmem>>) semaphore(%arg11 : memref<!tpu.dma_semaphore, #tpu.memory_space<semaphore_mem>>)
    %dma_start3A_9 = arith.constant 1 : i32
    %dma_start3A_10 = arith.constant 0 : i32
    %dma_start3A_11 = tpu.memref_slice %arg5[%dma_start3A_9, %dma_start3A_10] : memref<25x128xi32, #tpu.memory_space<vmem>> -> memref<1x128xi32, #tpu.memory_space<vmem>>
    %dma_start3A_12 = tpu.memref_squeeze %dma_start3A_11 : memref<1x128xi32, #tpu.memory_space<vmem>> -> memref<128xi32, #tpu.memory_space<vmem>>
    %dma_start3A_13 = arith.constant 0 : i32
    %dma_start3A_14 = arith.constant 0 : i32
    %dma_start3A_15 = tpu.memref_slice %arg3[%dma_start3A_13, %dma_start3A_14] : memref<100000x128xf32, #tpu.memory_space<hbm>> -> memref<100000x128xf32, #tpu.memory_space<hbm>>
    tpu.enqueue_indirect_dma source(%dma_start3A_15 : memref<100000x128xf32, #tpu.memory_space<hbm>>) target(%arg7 : memref<128x128xf32, #tpu.memory_space<vmem>>) offsets(%dma_start3A_12 : memref<128xi32, #tpu.memory_space<vmem>>) semaphore(%arg12 : memref<!tpu.dma_semaphore, #tpu.memory_space<semaphore_mem>>)
    %dma_start3A_16 = arith.constant 2 : i32
    %dma_start3A_17 = arith.constant 0 : i32
    %dma_start3A_18 = tpu.memref_slice %arg5[%dma_start3A_16, %dma_start3A_17] : memref<25x128xi32, #tpu.memory_space<vmem>> -> memref<1x128xi32, #tpu.memory_space<vmem>>
    %dma_start3A_19 = tpu.memref_squeeze %dma_start3A_18 : memref<1x128xi32, #tpu.memory_space<vmem>> -> memref<128xi32, #tpu.memory_space<vmem>>
    %dma_start3A_20 = arith.constant 0 : i32
    %dma_start3A_21 = arith.constant 0 : i32
    %dma_start3A_22 = tpu.memref_slice %arg3[%dma_start3A_20, %dma_start3A_21] : memref<100000x128xf32, #tpu.memory_space<hbm>> -> memref<100000x128xf32, #tpu.memory_space<hbm>>
    tpu.enqueue_indirect_dma source(%dma_start3A_22 : memref<100000x128xf32, #tpu.memory_space<hbm>>) target(%arg8 : memref<128x128xf32, #tpu.memory_space<vmem>>) offsets(%dma_start3A_19 : memref<128xi32, #tpu.memory_space<vmem>>) semaphore(%arg13 : memref<!tpu.dma_semaphore, #tpu.memory_space<semaphore_mem>>)
    %dma_start3A_23 = arith.constant 3 : i32
    %dma_start3A_24 = arith.constant 0 : i32
    %dma_start3A_25 = tpu.memref_slice %arg5[%dma_start3A_23, %dma_start3A_24] : memref<25x128xi32, #tpu.memory_space<vmem>> -> memref<1x128xi32, #tpu.memory_space<vmem>>
    %dma_start3A_26 = tpu.memref_squeeze %dma_start3A_25 : memref<1x128xi32, #tpu.memory_space<vmem>> -> memref<128xi32, #tpu.memory_space<vmem>>
    %dma_start3A_27 = arith.constant 0 : i32
    %dma_start3A_28 = arith.constant 0 : i32
    %dma_start3A_29 = tpu.memref_slice %arg3[%dma_start3A_27, %dma_start3A_28] : memref<100000x128xf32, #tpu.memory_space<hbm>> -> memref<100000x128xf32, #tpu.memory_space<hbm>>
    tpu.enqueue_indirect_dma source(%dma_start3A_29 : memref<100000x128xf32, #tpu.memory_space<hbm>>) target(%arg9 : memref<128x128xf32, #tpu.memory_space<vmem>>) offsets(%dma_start3A_26 : memref<128xi32, #tpu.memory_space<vmem>>) semaphore(%arg14 : memref<!tpu.dma_semaphore, #tpu.memory_space<semaphore_mem>>)
    %scan3A = arith.constant 0 : i32
    %scan3A_30 = arith.constant 5 : i32
    %scan3A_31 = arith.addi %scan3A, %scan3A_30 : i32
    %scan3A_32 = arith.constant 1 : i32
    scf.for %scan3A_63 = %scan3A to %scan3A_31 step %scan3A_32  : i32 {
      %mul3A_64 = arith.constant 1 : i32
      %mul3A_65 = arith.muli %scan3A_63, %mul3A_64 : i32
      %add3A_66 = arith.constant 0 : i32
      %add3A_67 = arith.addi %add3A_66, %mul3A_65 : i32
      %mul3A_68 = arith.constant 5 : i32
      %mul3A_69 = arith.muli %add3A_67, %mul3A_68 : i32
      %add3A_70 = arith.constant 0 : i32
      %add3A_71 = arith.addi %mul3A_69, %add3A_70 : i32
      %dma_wait3A_72 = arith.constant 0 : i32
      %dma_wait3A_73 = arith.constant 0 : i32
      %dma_wait3A_74 = tpu.memref_slice %arg3[%dma_wait3A_72, %dma_wait3A_73] : memref<100000x128xf32, #tpu.memory_space<hbm>> -> memref<128x128xf32, #tpu.memory_space<hbm>>
      %dma_wait3A_75 = arith.constant 0 : i32
      %dma_wait3A_76 = arith.constant 0 : i32
      %dma_wait3A_77 = tpu.memref_slice %arg3[%dma_wait3A_75, %dma_wait3A_76] : memref<100000x128xf32, #tpu.memory_space<hbm>> -> memref<128x128xf32, #tpu.memory_space<hbm>>
      tpu.wait_dma2 semaphore(%arg11 : memref<!tpu.dma_semaphore, #tpu.memory_space<semaphore_mem>>) src(%dma_wait3A_77 : memref<128x128xf32, #tpu.memory_space<hbm>>) dst(%arg6 : memref<128x128xf32, #tpu.memory_space<vmem>>)
      %add3A_78 = arith.constant 4 : i32
      %add3A_79 = arith.addi %add3A_71, %add3A_78 : i32
      %lt3A = arith.constant 25 : i32
      %lt3A_80 = arith.cmpi slt, %add3A_79, %lt3A : i32
      %convert_element_type3A = arith.extui %lt3A_80 : i1 to i32
      %cond3A = arith.constant 0 : i32
      %cond3A_81 = arith.cmpi ne, %convert_element_type3A, %cond3A : i32
      scf.if %cond3A_81 {
        %add3A_185 = arith.constant 4 : i32
        %add3A_186 = arith.addi %add3A_71, %add3A_185 : i32
        %ge3A = arith.constant 5 : i32
        %ge3A_187 = arith.cmpi sge, %add3A_186, %ge3A : i32
        %convert_element_type3A_188 = arith.extui %ge3A_187 : i1 to i32
        %cond3A_189 = arith.constant 0 : i32
        %cond3A_190 = arith.cmpi ne, %convert_element_type3A_188, %cond3A_189 : i32
        scf.if %cond3A_190 {
          %dma_wait3A_199 = arith.constant 0 : i32
          %dma_wait3A_200 = tpu.memref_slice %arg4[%mul3A_2, %dma_wait3A_199] : memref<102400x128xf32, #tpu.memory_space<hbm>> -> memref<128x128xf32, #tpu.memory_space<hbm>>
          %dma_wait3A_201 = arith.constant 0 : i32
          %dma_wait3A_202 = tpu.memref_slice %arg4[%mul3A_2, %dma_wait3A_201] : memref<102400x128xf32, #tpu.memory_space<hbm>> -> memref<128x128xf32, #tpu.memory_space<hbm>>
          tpu.wait_dma2 semaphore(%arg20 : memref<!tpu.dma_semaphore, #tpu.memory_space<semaphore_mem>>) src(%arg10 : memref<128x128xf32, #tpu.memory_space<vmem>>) dst(%dma_wait3A_202 : memref<128x128xf32, #tpu.memory_space<hbm>>)
        } else {
        }
        %add3A_191 = arith.constant 4 : i32
        %add3A_192 = arith.addi %add3A_71, %add3A_191 : i32
        %dma_start3A_193 = arith.constant 0 : i32
        %dma_start3A_194 = tpu.memref_slice %arg5[%add3A_192, %dma_start3A_193] : memref<25x128xi32, #tpu.memory_space<vmem>> -> memref<1x128xi32, #tpu.memory_space<vmem>>
        %dma_start3A_195 = tpu.memref_squeeze %dma_start3A_194 : memref<1x128xi32, #tpu.memory_space<vmem>> -> memref<128xi32, #tpu.memory_space<vmem>>
        %dma_start3A_196 = arith.constant 0 : i32
        %dma_start3A_197 = arith.constant 0 : i32
        %dma_start3A_198 = tpu.memref_slice %arg3[%dma_start3A_196, %dma_start3A_197] : memref<100000x128xf32, #tpu.memory_space<hbm>> -> memref<100000x128xf32, #tpu.memory_space<hbm>>
        tpu.enqueue_indirect_dma source(%dma_start3A_198 : memref<100000x128xf32, #tpu.memory_space<hbm>>) target(%arg10 : memref<128x128xf32, #tpu.memory_space<vmem>>) offsets(%dma_start3A_195 : memref<128xi32, #tpu.memory_space<vmem>>) semaphore(%arg15 : memref<!tpu.dma_semaphore, #tpu.memory_space<semaphore_mem>>)
      } else {
      }
      %mul3A_82 = arith.constant 128 : i32
      %mul3A_83 = arith.muli %add3A_71, %mul3A_82 : i32
      %add3A_84 = arith.addi %mul3A_2, %mul3A_83 : i32
      %dma_start3A_85 = arith.constant 0 : i32
      %dma_start3A_86 = tpu.memref_slice %arg4[%add3A_84, %dma_start3A_85] : memref<102400x128xf32, #tpu.memory_space<hbm>> -> memref<128x128xf32, #tpu.memory_space<hbm>>
      %dma_start3A_87 = arith.constant 0 : i32
      %dma_start3A_88 = tpu.memref_slice %arg4[%add3A_84, %dma_start3A_87] : memref<102400x128xf32, #tpu.memory_space<hbm>> -> memref<128x128xf32, #tpu.memory_space<hbm>>
      tpu.enqueue_dma source(%arg6 : memref<128x128xf32, #tpu.memory_space<vmem>>) target(%dma_start3A_88 : memref<128x128xf32, #tpu.memory_space<hbm>>) target_semaphore(%arg16 : memref<!tpu.dma_semaphore, #tpu.memory_space<semaphore_mem>>)
      %mul3A_89 = arith.constant 5 : i32
      %mul3A_90 = arith.muli %add3A_67, %mul3A_89 : i32
      %add3A_91 = arith.constant 1 : i32
      %add3A_92 = arith.addi %mul3A_90, %add3A_91 : i32
      %dma_wait3A_93 = arith.constant 0 : i32
      %dma_wait3A_94 = arith.constant 0 : i32
      %dma_wait3A_95 = tpu.memref_slice %arg3[%dma_wait3A_93, %dma_wait3A_94] : memref<100000x128xf32, #tpu.memory_space<hbm>> -> memref<128x128xf32, #tpu.memory_space<hbm>>
      %dma_wait3A_96 = arith.constant 0 : i32
      %dma_wait3A_97 = arith.constant 0 : i32
      %dma_wait3A_98 = tpu.memref_slice %arg3[%dma_wait3A_96, %dma_wait3A_97] : memref<100000x128xf32, #tpu.memory_space<hbm>> -> memref<128x128xf32, #tpu.memory_space<hbm>>
      tpu.wait_dma2 semaphore(%arg12 : memref<!tpu.dma_semaphore, #tpu.memory_space<semaphore_mem>>) src(%dma_wait3A_98 : memref<128x128xf32, #tpu.memory_space<hbm>>) dst(%arg7 : memref<128x128xf32, #tpu.memory_space<vmem>>)
      %add3A_99 = arith.constant 4 : i32
      %add3A_100 = arith.addi %add3A_92, %add3A_99 : i32
      %lt3A_101 = arith.constant 25 : i32
      %lt3A_102 = arith.cmpi slt, %add3A_100, %lt3A_101 : i32
      %convert_element_type3A_103 = arith.extui %lt3A_102 : i1 to i32
      %cond3A_104 = arith.constant 0 : i32
      %cond3A_105 = arith.cmpi ne, %convert_element_type3A_103, %cond3A_104 : i32
      scf.if %cond3A_105 {
        %add3A_185 = arith.constant 4 : i32
        %add3A_186 = arith.addi %add3A_92, %add3A_185 : i32
        %ge3A = arith.constant 5 : i32
        %ge3A_187 = arith.cmpi sge, %add3A_186, %ge3A : i32
        %convert_element_type3A_188 = arith.extui %ge3A_187 : i1 to i32
        %cond3A_189 = arith.constant 0 : i32
        %cond3A_190 = arith.cmpi ne, %convert_element_type3A_188, %cond3A_189 : i32
        scf.if %cond3A_190 {
          %dma_wait3A_199 = arith.constant 0 : i32
          %dma_wait3A_200 = tpu.memref_slice %arg4[%mul3A_2, %dma_wait3A_199] : memref<102400x128xf32, #tpu.memory_space<hbm>> -> memref<128x128xf32, #tpu.memory_space<hbm>>
          %dma_wait3A_201 = arith.constant 0 : i32
          %dma_wait3A_202 = tpu.memref_slice %arg4[%mul3A_2, %dma_wait3A_201] : memref<102400x128xf32, #tpu.memory_space<hbm>> -> memref<128x128xf32, #tpu.memory_space<hbm>>
          tpu.wait_dma2 semaphore(%arg16 : memref<!tpu.dma_semaphore, #tpu.memory_space<semaphore_mem>>) src(%arg6 : memref<128x128xf32, #tpu.memory_space<vmem>>) dst(%dma_wait3A_202 : memref<128x128xf32, #tpu.memory_space<hbm>>)
        } else {
        }
        %add3A_191 = arith.constant 4 : i32
        %add3A_192 = arith.addi %add3A_92, %add3A_191 : i32
        %dma_start3A_193 = arith.constant 0 : i32
        %dma_start3A_194 = tpu.memref_slice %arg5[%add3A_192, %dma_start3A_193] : memref<25x128xi32, #tpu.memory_space<vmem>> -> memref<1x128xi32, #tpu.memory_space<vmem>>
        %dma_start3A_195 = tpu.memref_squeeze %dma_start3A_194 : memref<1x128xi32, #tpu.memory_space<vmem>> -> memref<128xi32, #tpu.memory_space<vmem>>
        %dma_start3A_196 = arith.constant 0 : i32
        %dma_start3A_197 = arith.constant 0 : i32
        %dma_start3A_198 = tpu.memref_slice %arg3[%dma_start3A_196, %dma_start3A_197] : memref<100000x128xf32, #tpu.memory_space<hbm>> -> memref<100000x128xf32, #tpu.memory_space<hbm>>
        tpu.enqueue_indirect_dma source(%dma_start3A_198 : memref<100000x128xf32, #tpu.memory_space<hbm>>) target(%arg6 : memref<128x128xf32, #tpu.memory_space<vmem>>) offsets(%dma_start3A_195 : memref<128xi32, #tpu.memory_space<vmem>>) semaphore(%arg11 : memref<!tpu.dma_semaphore, #tpu.memory_space<semaphore_mem>>)
      } else {
      }
      %mul3A_106 = arith.constant 128 : i32
      %mul3A_107 = arith.muli %add3A_92, %mul3A_106 : i32
      %add3A_108 = arith.addi %mul3A_2, %mul3A_107 : i32
      %dma_start3A_109 = arith.constant 0 : i32
      %dma_start3A_110 = tpu.memref_slice %arg4[%add3A_108, %dma_start3A_109] : memref<102400x128xf32, #tpu.memory_space<hbm>> -> memref<128x128xf32, #tpu.memory_space<hbm>>
      %dma_start3A_111 = arith.constant 0 : i32
      %dma_start3A_112 = tpu.memref_slice %arg4[%add3A_108, %dma_start3A_111] : memref<102400x128xf32, #tpu.memory_space<hbm>> -> memref<128x128xf32, #tpu.memory_space<hbm>>
      tpu.enqueue_dma source(%arg7 : memref<128x128xf32, #tpu.memory_space<vmem>>) target(%dma_start3A_112 : memref<128x128xf32, #tpu.memory_space<hbm>>) target_semaphore(%arg17 : memref<!tpu.dma_semaphore, #tpu.memory_space<semaphore_mem>>)
      %mul3A_113 = arith.constant 5 : i32
      %mul3A_114 = arith.muli %add3A_67, %mul3A_113 : i32
      %add3A_115 = arith.constant 2 : i32
      %add3A_116 = arith.addi %mul3A_114, %add3A_115 : i32
      %dma_wait3A_117 = arith.constant 0 : i32
      %dma_wait3A_118 = arith.constant 0 : i32
      %dma_wait3A_119 = tpu.memref_slice %arg3[%dma_wait3A_117, %dma_wait3A_118] : memref<100000x128xf32, #tpu.memory_space<hbm>> -> memref<128x128xf32, #tpu.memory_space<hbm>>
      %dma_wait3A_120 = arith.constant 0 : i32
      %dma_wait3A_121 = arith.constant 0 : i32
      %dma_wait3A_122 = tpu.memref_slice %arg3[%dma_wait3A_120, %dma_wait3A_121] : memref<100000x128xf32, #tpu.memory_space<hbm>> -> memref<128x128xf32, #tpu.memory_space<hbm>>
      tpu.wait_dma2 semaphore(%arg13 : memref<!tpu.dma_semaphore, #tpu.memory_space<semaphore_mem>>) src(%dma_wait3A_122 : memref<128x128xf32, #tpu.memory_space<hbm>>) dst(%arg8 : memref<128x128xf32, #tpu.memory_space<vmem>>)
      %add3A_123 = arith.constant 4 : i32
      %add3A_124 = arith.addi %add3A_116, %add3A_123 : i32
      %lt3A_125 = arith.constant 25 : i32
      %lt3A_126 = arith.cmpi slt, %add3A_124, %lt3A_125 : i32
      %convert_element_type3A_127 = arith.extui %lt3A_126 : i1 to i32
      %cond3A_128 = arith.constant 0 : i32
      %cond3A_129 = arith.cmpi ne, %convert_element_type3A_127, %cond3A_128 : i32
      scf.if %cond3A_129 {
        %add3A_185 = arith.constant 4 : i32
        %add3A_186 = arith.addi %add3A_116, %add3A_185 : i32
        %ge3A = arith.constant 5 : i32
        %ge3A_187 = arith.cmpi sge, %add3A_186, %ge3A : i32
        %convert_element_type3A_188 = arith.extui %ge3A_187 : i1 to i32
        %cond3A_189 = arith.constant 0 : i32
        %cond3A_190 = arith.cmpi ne, %convert_element_type3A_188, %cond3A_189 : i32
        scf.if %cond3A_190 {
          %dma_wait3A_199 = arith.constant 0 : i32
          %dma_wait3A_200 = tpu.memref_slice %arg4[%mul3A_2, %dma_wait3A_199] : memref<102400x128xf32, #tpu.memory_space<hbm>> -> memref<128x128xf32, #tpu.memory_space<hbm>>
          %dma_wait3A_201 = arith.constant 0 : i32
          %dma_wait3A_202 = tpu.memref_slice %arg4[%mul3A_2, %dma_wait3A_201] : memref<102400x128xf32, #tpu.memory_space<hbm>> -> memref<128x128xf32, #tpu.memory_space<hbm>>
          tpu.wait_dma2 semaphore(%arg17 : memref<!tpu.dma_semaphore, #tpu.memory_space<semaphore_mem>>) src(%arg7 : memref<128x128xf32, #tpu.memory_space<vmem>>) dst(%dma_wait3A_202 : memref<128x128xf32, #tpu.memory_space<hbm>>)
        } else {
        }
        %add3A_191 = arith.constant 4 : i32
        %add3A_192 = arith.addi %add3A_116, %add3A_191 : i32
        %dma_start3A_193 = arith.constant 0 : i32
        %dma_start3A_194 = tpu.memref_slice %arg5[%add3A_192, %dma_start3A_193] : memref<25x128xi32, #tpu.memory_space<vmem>> -> memref<1x128xi32, #tpu.memory_space<vmem>>
        %dma_start3A_195 = tpu.memref_squeeze %dma_start3A_194 : memref<1x128xi32, #tpu.memory_space<vmem>> -> memref<128xi32, #tpu.memory_space<vmem>>
        %dma_start3A_196 = arith.constant 0 : i32
        %dma_start3A_197 = arith.constant 0 : i32
        %dma_start3A_198 = tpu.memref_slice %arg3[%dma_start3A_196, %dma_start3A_197] : memref<100000x128xf32, #tpu.memory_space<hbm>> -> memref<100000x128xf32, #tpu.memory_space<hbm>>
        tpu.enqueue_indirect_dma source(%dma_start3A_198 : memref<100000x128xf32, #tpu.memory_space<hbm>>) target(%arg7 : memref<128x128xf32, #tpu.memory_space<vmem>>) offsets(%dma_start3A_195 : memref<128xi32, #tpu.memory_space<vmem>>) semaphore(%arg12 : memref<!tpu.dma_semaphore, #tpu.memory_space<semaphore_mem>>)
      } else {
      }
      %mul3A_130 = arith.constant 128 : i32
      %mul3A_131 = arith.muli %add3A_116, %mul3A_130 : i32
      %add3A_132 = arith.addi %mul3A_2, %mul3A_131 : i32
      %dma_start3A_133 = arith.constant 0 : i32
      %dma_start3A_134 = tpu.memref_slice %arg4[%add3A_132, %dma_start3A_133] : memref<102400x128xf32, #tpu.memory_space<hbm>> -> memref<128x128xf32, #tpu.memory_space<hbm>>
      %dma_start3A_135 = arith.constant 0 : i32
      %dma_start3A_136 = tpu.memref_slice %arg4[%add3A_132, %dma_start3A_135] : memref<102400x128xf32, #tpu.memory_space<hbm>> -> memref<128x128xf32, #tpu.memory_space<hbm>>
      tpu.enqueue_dma source(%arg8 : memref<128x128xf32, #tpu.memory_space<vmem>>) target(%dma_start3A_136 : memref<128x128xf32, #tpu.memory_space<hbm>>) target_semaphore(%arg18 : memref<!tpu.dma_semaphore, #tpu.memory_space<semaphore_mem>>)
      %mul3A_137 = arith.constant 5 : i32
      %mul3A_138 = arith.muli %add3A_67, %mul3A_137 : i32
      %add3A_139 = arith.constant 3 : i32
      %add3A_140 = arith.addi %mul3A_138, %add3A_139 : i32
      %dma_wait3A_141 = arith.constant 0 : i32
      %dma_wait3A_142 = arith.constant 0 : i32
      %dma_wait3A_143 = tpu.memref_slice %arg3[%dma_wait3A_141, %dma_wait3A_142] : memref<100000x128xf32, #tpu.memory_space<hbm>> -> memref<128x128xf32, #tpu.memory_space<hbm>>
      %dma_wait3A_144 = arith.constant 0 : i32
      %dma_wait3A_145 = arith.constant 0 : i32
      %dma_wait3A_146 = tpu.memref_slice %arg3[%dma_wait3A_144, %dma_wait3A_145] : memref<100000x128xf32, #tpu.memory_space<hbm>> -> memref<128x128xf32, #tpu.memory_space<hbm>>
      tpu.wait_dma2 semaphore(%arg14 : memref<!tpu.dma_semaphore, #tpu.memory_space<semaphore_mem>>) src(%dma_wait3A_146 : memref<128x128xf32, #tpu.memory_space<hbm>>) dst(%arg9 : memref<128x128xf32, #tpu.memory_space<vmem>>)
      %add3A_147 = arith.constant 4 : i32
      %add3A_148 = arith.addi %add3A_140, %add3A_147 : i32
      %lt3A_149 = arith.constant 25 : i32
      %lt3A_150 = arith.cmpi slt, %add3A_148, %lt3A_149 : i32
      %convert_element_type3A_151 = arith.extui %lt3A_150 : i1 to i32
      %cond3A_152 = arith.constant 0 : i32
      %cond3A_153 = arith.cmpi ne, %convert_element_type3A_151, %cond3A_152 : i32
      scf.if %cond3A_153 {
        %add3A_185 = arith.constant 4 : i32
        %add3A_186 = arith.addi %add3A_140, %add3A_185 : i32
        %ge3A = arith.constant 5 : i32
        %ge3A_187 = arith.cmpi sge, %add3A_186, %ge3A : i32
        %convert_element_type3A_188 = arith.extui %ge3A_187 : i1 to i32
        %cond3A_189 = arith.constant 0 : i32
        %cond3A_190 = arith.cmpi ne, %convert_element_type3A_188, %cond3A_189 : i32
        scf.if %cond3A_190 {
          %dma_wait3A_199 = arith.constant 0 : i32
          %dma_wait3A_200 = tpu.memref_slice %arg4[%mul3A_2, %dma_wait3A_199] : memref<102400x128xf32, #tpu.memory_space<hbm>> -> memref<128x128xf32, #tpu.memory_space<hbm>>
          %dma_wait3A_201 = arith.constant 0 : i32
          %dma_wait3A_202 = tpu.memref_slice %arg4[%mul3A_2, %dma_wait3A_201] : memref<102400x128xf32, #tpu.memory_space<hbm>> -> memref<128x128xf32, #tpu.memory_space<hbm>>
          tpu.wait_dma2 semaphore(%arg18 : memref<!tpu.dma_semaphore, #tpu.memory_space<semaphore_mem>>) src(%arg8 : memref<128x128xf32, #tpu.memory_space<vmem>>) dst(%dma_wait3A_202 : memref<128x128xf32, #tpu.memory_space<hbm>>)
        } else {
        }
        %add3A_191 = arith.constant 4 : i32
        %add3A_192 = arith.addi %add3A_140, %add3A_191 : i32
        %dma_start3A_193 = arith.constant 0 : i32
        %dma_start3A_194 = tpu.memref_slice %arg5[%add3A_192, %dma_start3A_193] : memref<25x128xi32, #tpu.memory_space<vmem>> -> memref<1x128xi32, #tpu.memory_space<vmem>>
        %dma_start3A_195 = tpu.memref_squeeze %dma_start3A_194 : memref<1x128xi32, #tpu.memory_space<vmem>> -> memref<128xi32, #tpu.memory_space<vmem>>
        %dma_start3A_196 = arith.constant 0 : i32
        %dma_start3A_197 = arith.constant 0 : i32
        %dma_start3A_198 = tpu.memref_slice %arg3[%dma_start3A_196, %dma_start3A_197] : memref<100000x128xf32, #tpu.memory_space<hbm>> -> memref<100000x128xf32, #tpu.memory_space<hbm>>
        tpu.enqueue_indirect_dma source(%dma_start3A_198 : memref<100000x128xf32, #tpu.memory_space<hbm>>) target(%arg8 : memref<128x128xf32, #tpu.memory_space<vmem>>) offsets(%dma_start3A_195 : memref<128xi32, #tpu.memory_space<vmem>>) semaphore(%arg13 : memref<!tpu.dma_semaphore, #tpu.memory_space<semaphore_mem>>)
      } else {
      }
      %mul3A_154 = arith.constant 128 : i32
      %mul3A_155 = arith.muli %add3A_140, %mul3A_154 : i32
      %add3A_156 = arith.addi %mul3A_2, %mul3A_155 : i32
      %dma_start3A_157 = arith.constant 0 : i32
      %dma_start3A_158 = tpu.memref_slice %arg4[%add3A_156, %dma_start3A_157] : memref<102400x128xf32, #tpu.memory_space<hbm>> -> memref<128x128xf32, #tpu.memory_space<hbm>>
      %dma_start3A_159 = arith.constant 0 : i32
      %dma_start3A_160 = tpu.memref_slice %arg4[%add3A_156, %dma_start3A_159] : memref<102400x128xf32, #tpu.memory_space<hbm>> -> memref<128x128xf32, #tpu.memory_space<hbm>>
      tpu.enqueue_dma source(%arg9 : memref<128x128xf32, #tpu.memory_space<vmem>>) target(%dma_start3A_160 : memref<128x128xf32, #tpu.memory_space<hbm>>) target_semaphore(%arg19 : memref<!tpu.dma_semaphore, #tpu.memory_space<semaphore_mem>>)
      %mul3A_161 = arith.constant 5 : i32
      %mul3A_162 = arith.muli %add3A_67, %mul3A_161 : i32
      %add3A_163 = arith.constant 4 : i32
      %add3A_164 = arith.addi %mul3A_162, %add3A_163 : i32
      %dma_wait3A_165 = arith.constant 0 : i32
      %dma_wait3A_166 = arith.constant 0 : i32
      %dma_wait3A_167 = tpu.memref_slice %arg3[%dma_wait3A_165, %dma_wait3A_166] : memref<100000x128xf32, #tpu.memory_space<hbm>> -> memref<128x128xf32, #tpu.memory_space<hbm>>
      %dma_wait3A_168 = arith.constant 0 : i32
      %dma_wait3A_169 = arith.constant 0 : i32
      %dma_wait3A_170 = tpu.memref_slice %arg3[%dma_wait3A_168, %dma_wait3A_169] : memref<100000x128xf32, #tpu.memory_space<hbm>> -> memref<128x128xf32, #tpu.memory_space<hbm>>
      tpu.wait_dma2 semaphore(%arg15 : memref<!tpu.dma_semaphore, #tpu.memory_space<semaphore_mem>>) src(%dma_wait3A_170 : memref<128x128xf32, #tpu.memory_space<hbm>>) dst(%arg10 : memref<128x128xf32, #tpu.memory_space<vmem>>)
      %add3A_171 = arith.constant 4 : i32
      %add3A_172 = arith.addi %add3A_164, %add3A_171 : i32
      %lt3A_173 = arith.constant 25 : i32
      %lt3A_174 = arith.cmpi slt, %add3A_172, %lt3A_173 : i32
      %convert_element_type3A_175 = arith.extui %lt3A_174 : i1 to i32
      %cond3A_176 = arith.constant 0 : i32
      %cond3A_177 = arith.cmpi ne, %convert_element_type3A_175, %cond3A_176 : i32
      scf.if %cond3A_177 {
        %add3A_185 = arith.constant 4 : i32
        %add3A_186 = arith.addi %add3A_164, %add3A_185 : i32
        %ge3A = arith.constant 5 : i32
        %ge3A_187 = arith.cmpi sge, %add3A_186, %ge3A : i32
        %convert_element_type3A_188 = arith.extui %ge3A_187 : i1 to i32
        %cond3A_189 = arith.constant 0 : i32
        %cond3A_190 = arith.cmpi ne, %convert_element_type3A_188, %cond3A_189 : i32
        scf.if %cond3A_190 {
          %dma_wait3A_199 = arith.constant 0 : i32
          %dma_wait3A_200 = tpu.memref_slice %arg4[%mul3A_2, %dma_wait3A_199] : memref<102400x128xf32, #tpu.memory_space<hbm>> -> memref<128x128xf32, #tpu.memory_space<hbm>>
          %dma_wait3A_201 = arith.constant 0 : i32
          %dma_wait3A_202 = tpu.memref_slice %arg4[%mul3A_2, %dma_wait3A_201] : memref<102400x128xf32, #tpu.memory_space<hbm>> -> memref<128x128xf32, #tpu.memory_space<hbm>>
          tpu.wait_dma2 semaphore(%arg19 : memref<!tpu.dma_semaphore, #tpu.memory_space<semaphore_mem>>) src(%arg9 : memref<128x128xf32, #tpu.memory_space<vmem>>) dst(%dma_wait3A_202 : memref<128x128xf32, #tpu.memory_space<hbm>>)
        } else {
        }
        %add3A_191 = arith.constant 4 : i32
        %add3A_192 = arith.addi %add3A_164, %add3A_191 : i32
        %dma_start3A_193 = arith.constant 0 : i32
        %dma_start3A_194 = tpu.memref_slice %arg5[%add3A_192, %dma_start3A_193] : memref<25x128xi32, #tpu.memory_space<vmem>> -> memref<1x128xi32, #tpu.memory_space<vmem>>
        %dma_start3A_195 = tpu.memref_squeeze %dma_start3A_194 : memref<1x128xi32, #tpu.memory_space<vmem>> -> memref<128xi32, #tpu.memory_space<vmem>>
        %dma_start3A_196 = arith.constant 0 : i32
        %dma_start3A_197 = arith.constant 0 : i32
        %dma_start3A_198 = tpu.memref_slice %arg3[%dma_start3A_196, %dma_start3A_197] : memref<100000x128xf32, #tpu.memory_space<hbm>> -> memref<100000x128xf32, #tpu.memory_space<hbm>>
        tpu.enqueue_indirect_dma source(%dma_start3A_198 : memref<100000x128xf32, #tpu.memory_space<hbm>>) target(%arg9 : memref<128x128xf32, #tpu.memory_space<vmem>>) offsets(%dma_start3A_195 : memref<128xi32, #tpu.memory_space<vmem>>) semaphore(%arg14 : memref<!tpu.dma_semaphore, #tpu.memory_space<semaphore_mem>>)
      } else {
      }
      %mul3A_178 = arith.constant 128 : i32
      %mul3A_179 = arith.muli %add3A_164, %mul3A_178 : i32
      %add3A_180 = arith.addi %mul3A_2, %mul3A_179 : i32
      %dma_start3A_181 = arith.constant 0 : i32
      %dma_start3A_182 = tpu.memref_slice %arg4[%add3A_180, %dma_start3A_181] : memref<102400x128xf32, #tpu.memory_space<hbm>> -> memref<128x128xf32, #tpu.memory_space<hbm>>
      %dma_start3A_183 = arith.constant 0 : i32
      %dma_start3A_184 = tpu.memref_slice %arg4[%add3A_180, %dma_start3A_183] : memref<102400x128xf32, #tpu.memory_space<hbm>> -> memref<128x128xf32, #tpu.memory_space<hbm>>
      tpu.enqueue_dma source(%arg10 : memref<128x128xf32, #tpu.memory_space<vmem>>) target(%dma_start3A_184 : memref<128x128xf32, #tpu.memory_space<hbm>>) target_semaphore(%arg20 : memref<!tpu.dma_semaphore, #tpu.memory_space<semaphore_mem>>)
    }
    %scan3A_33 = arith.constant 5 : i32
    %add3A_34 = arith.constant 2560 : i32
    %add3A_35 = arith.addi %mul3A_2, %add3A_34 : i32
    %dma_wait3A = arith.constant 0 : i32
    %dma_wait3A_36 = tpu.memref_slice %arg4[%add3A_35, %dma_wait3A] : memref<102400x128xf32, #tpu.memory_space<hbm>> -> memref<128x128xf32, #tpu.memory_space<hbm>>
    %dma_wait3A_37 = arith.constant 0 : i32
    %dma_wait3A_38 = tpu.memref_slice %arg4[%add3A_35, %dma_wait3A_37] : memref<102400x128xf32, #tpu.memory_space<hbm>> -> memref<128x128xf32, #tpu.memory_space<hbm>>
    tpu.wait_dma2 semaphore(%arg16 : memref<!tpu.dma_semaphore, #tpu.memory_space<semaphore_mem>>) src(%arg6 : memref<128x128xf32, #tpu.memory_space<vmem>>) dst(%dma_wait3A_38 : memref<128x128xf32, #tpu.memory_space<hbm>>)
    %add3A_39 = arith.constant 2688 : i32
    %add3A_40 = arith.addi %mul3A_2, %add3A_39 : i32
    %dma_wait3A_41 = arith.constant 0 : i32
    %dma_wait3A_42 = tpu.memref_slice %arg4[%add3A_40, %dma_wait3A_41] : memref<102400x128xf32, #tpu.memory_space<hbm>> -> memref<128x128xf32, #tpu.memory_space<hbm>>
    %dma_wait3A_43 = arith.constant 0 : i32
    %dma_wait3A_44 = tpu.memref_slice %arg4[%add3A_40, %dma_wait3A_43] : memref<102400x128xf32, #tpu.memory_space<hbm>> -> memref<128x128xf32, #tpu.memory_space<hbm>>
    tpu.wait_dma2 semaphore(%arg17 : memref<!tpu.dma_semaphore, #tpu.memory_space<semaphore_mem>>) src(%arg7 : memref<128x128xf32, #tpu.memory_space<vmem>>) dst(%dma_wait3A_44 : memref<128x128xf32, #tpu.memory_space<hbm>>)
    %add3A_45 = arith.constant 2816 : i32
    %add3A_46 = arith.addi %mul3A_2, %add3A_45 : i32
    %dma_wait3A_47 = arith.constant 0 : i32
    %dma_wait3A_48 = tpu.memref_slice %arg4[%add3A_46, %dma_wait3A_47] : memref<102400x128xf32, #tpu.memory_space<hbm>> -> memref<128x128xf32, #tpu.memory_space<hbm>>
    %dma_wait3A_49 = arith.constant 0 : i32
    %dma_wait3A_50 = tpu.memref_slice %arg4[%add3A_46, %dma_wait3A_49] : memref<102400x128xf32, #tpu.memory_space<hbm>> -> memref<128x128xf32, #tpu.memory_space<hbm>>
    tpu.wait_dma2 semaphore(%arg18 : memref<!tpu.dma_semaphore, #tpu.memory_space<semaphore_mem>>) src(%arg8 : memref<128x128xf32, #tpu.memory_space<vmem>>) dst(%dma_wait3A_50 : memref<128x128xf32, #tpu.memory_space<hbm>>)
    %add3A_51 = arith.constant 2944 : i32
    %add3A_52 = arith.addi %mul3A_2, %add3A_51 : i32
    %dma_wait3A_53 = arith.constant 0 : i32
    %dma_wait3A_54 = tpu.memref_slice %arg4[%add3A_52, %dma_wait3A_53] : memref<102400x128xf32, #tpu.memory_space<hbm>> -> memref<128x128xf32, #tpu.memory_space<hbm>>
    %dma_wait3A_55 = arith.constant 0 : i32
    %dma_wait3A_56 = tpu.memref_slice %arg4[%add3A_52, %dma_wait3A_55] : memref<102400x128xf32, #tpu.memory_space<hbm>> -> memref<128x128xf32, #tpu.memory_space<hbm>>
    tpu.wait_dma2 semaphore(%arg19 : memref<!tpu.dma_semaphore, #tpu.memory_space<semaphore_mem>>) src(%arg9 : memref<128x128xf32, #tpu.memory_space<vmem>>) dst(%dma_wait3A_56 : memref<128x128xf32, #tpu.memory_space<hbm>>)
    %add3A_57 = arith.constant 3072 : i32
    %add3A_58 = arith.addi %mul3A_2, %add3A_57 : i32
    %dma_wait3A_59 = arith.constant 0 : i32
    %dma_wait3A_60 = tpu.memref_slice %arg4[%add3A_58, %dma_wait3A_59] : memref<102400x128xf32, #tpu.memory_space<hbm>> -> memref<128x128xf32, #tpu.memory_space<hbm>>
    %dma_wait3A_61 = arith.constant 0 : i32
    %dma_wait3A_62 = tpu.memref_slice %arg4[%add3A_58, %dma_wait3A_61] : memref<102400x128xf32, #tpu.memory_space<hbm>> -> memref<128x128xf32, #tpu.memory_space<hbm>>
    tpu.wait_dma2 semaphore(%arg20 : memref<!tpu.dma_semaphore, #tpu.memory_space<semaphore_mem>>) src(%arg10 : memref<128x128xf32, #tpu.memory_space<vmem>>) dst(%dma_wait3A_62 : memref<128x128xf32, #tpu.memory_space<hbm>>)
    return
  }
}

#map = affine_map<(d0, d1) -> (0, 0, 0)>
#map1 = affine_map<(d0, d1) -> (0, 0)>
module attributes {stable_mosaic.version = 14 : i64} {
  func.func @_sc_gather_body(%arg0: i32, %arg1: i32, %arg2: memref<32x25x128xi32, #tpu.memory_space<hbm>>, %arg3: memref<100000x128xf32, #tpu.memory_space<hbm>>, %arg4: memref<102400x128xf32, #tpu.memory_space<hbm>>, %arg5: memref<25x128xi32, #tpu.memory_space<vmem>>, %arg6: memref<128x128xf32, #tpu.memory_space<vmem>>, %arg7: memref<128x128xf32, #tpu.memory_space<vmem>>, %arg8: memref<128x128xf32, #tpu.memory_space<vmem>>, %arg9: memref<128x128xf32, #tpu.memory_space<vmem>>, %arg10: memref<128x128xf32, #tpu.memory_space<vmem>>, %arg11: memref<!tpu.dma_semaphore, #tpu.memory_space<semaphore_mem>>, %arg12: memref<!tpu.dma_semaphore, #tpu.memory_space<semaphore_mem>>, %arg13: memref<!tpu.dma_semaphore, #tpu.memory_space<semaphore_mem>>, %arg14: memref<!tpu.dma_semaphore, #tpu.memory_space<semaphore_mem>>, %arg15: memref<!tpu.dma_semaphore, #tpu.memory_space<semaphore_mem>>, %arg16: memref<!tpu.dma_semaphore, #tpu.memory_space<semaphore_mem>>, %arg17: memref<!tpu.dma_semaphore, #tpu.memory_space<semaphore_mem>>, %arg18: memref<!tpu.dma_semaphore, #tpu.memory_space<semaphore_mem>>, %arg19: memref<!tpu.dma_semaphore, #tpu.memory_space<semaphore_mem>>, %arg20: memref<!tpu.dma_semaphore, #tpu.memory_space<semaphore_mem>>) attributes {dimension_semantics = [#tpu.dimension_semantics<core_parallel>, #tpu.dimension_semantics<subcore_parallel>], iteration_bounds = array<i64: 2, 16>, scalar_prefetch = 0 : i64, scratch_operands = 16 : i64, tpu.core_type = #tpu.core_type<sc_vector_subcore>, window_params = [{transform_indices = #map}, {transform_indices = #map1}, {transform_indices = #map1}]} {
    %mul3A = arith.constant 2 : i32
    %mul3A_0 = arith.muli %arg1, %mul3A : i32
    %add3A = arith.addi %mul3A_0, %arg0 : i32
    %mul3A_1 = arith.constant 3200 : i32
    %mul3A_2 = arith.muli %add3A, %mul3A_1 : i32
    "tpu.region"() ({
      %run_scoped3A = tpu.sem_alloc : memref<!tpu.dma_semaphore, #tpu.memory_space<semaphore_mem>>
      %dma_start3A_63 = arith.constant 0 : i32
      %dma_start3A_64 = arith.constant 0 : i32
      %dma_start3A_65 = tpu.memref_slice %arg2[%add3A, %dma_start3A_63, %dma_start3A_64] : memref<32x25x128xi32, #tpu.memory_space<hbm>> -> memref<1x25x128xi32, #tpu.memory_space<hbm>>
      %dma_start3A_66 = tpu.memref_squeeze %dma_start3A_65 : memref<1x25x128xi32, #tpu.memory_space<hbm>> -> memref<25x128xi32, #tpu.memory_space<hbm>>
      %dma_start3A_67 = arith.constant 0 : i32
      %dma_start3A_68 = arith.constant 0 : i32
      %dma_start3A_69 = tpu.memref_slice %arg2[%add3A, %dma_start3A_67, %dma_start3A_68] : memref<32x25x128xi32, #tpu.memory_space<hbm>> -> memref<1x25x128xi32, #tpu.memory_space<hbm>>
      %dma_start3A_70 = tpu.memref_squeeze %dma_start3A_69 : memref<1x25x128xi32, #tpu.memory_space<hbm>> -> memref<25x128xi32, #tpu.memory_space<hbm>>
      tpu.enqueue_dma source(%dma_start3A_70 : memref<25x128xi32, #tpu.memory_space<hbm>>) target(%arg5 : memref<25x128xi32, #tpu.memory_space<vmem>>) target_semaphore(%run_scoped3A : memref<!tpu.dma_semaphore, #tpu.memory_space<semaphore_mem>>)
      %dma_wait3A_71 = arith.constant 0 : i32
      %dma_wait3A_72 = arith.constant 0 : i32
      %dma_wait3A_73 = tpu.memref_slice %arg2[%add3A, %dma_wait3A_71, %dma_wait3A_72] : memref<32x25x128xi32, #tpu.memory_space<hbm>> -> memref<1x25x128xi32, #tpu.memory_space<hbm>>
      %dma_wait3A_74 = tpu.memref_squeeze %dma_wait3A_73 : memref<1x25x128xi32, #tpu.memory_space<hbm>> -> memref<25x128xi32, #tpu.memory_space<hbm>>
      %dma_wait3A_75 = arith.constant 0 : i32
      %dma_wait3A_76 = arith.constant 0 : i32
      %dma_wait3A_77 = tpu.memref_slice %arg2[%add3A, %dma_wait3A_75, %dma_wait3A_76] : memref<32x25x128xi32, #tpu.memory_space<hbm>> -> memref<1x25x128xi32, #tpu.memory_space<hbm>>
      %dma_wait3A_78 = tpu.memref_squeeze %dma_wait3A_77 : memref<1x25x128xi32, #tpu.memory_space<hbm>> -> memref<25x128xi32, #tpu.memory_space<hbm>>
      tpu.wait_dma2 semaphore(%run_scoped3A : memref<!tpu.dma_semaphore, #tpu.memory_space<semaphore_mem>>) src(%dma_wait3A_78 : memref<25x128xi32, #tpu.memory_space<hbm>>) dst(%arg5 : memref<25x128xi32, #tpu.memory_space<vmem>>)
      tpu.yield
    }) : () -> ()
    %dma_start3A = arith.constant 0 : i32
    %dma_start3A_3 = arith.constant 0 : i32
    %dma_start3A_4 = tpu.memref_slice %arg5[%dma_start3A, %dma_start3A_3] : memref<25x128xi32, #tpu.memory_space<vmem>> -> memref<1x128xi32, #tpu.memory_space<vmem>>
    %dma_start3A_5 = tpu.memref_squeeze %dma_start3A_4 : memref<1x128xi32, #tpu.memory_space<vmem>> -> memref<128xi32, #tpu.memory_space<vmem>>
    %dma_start3A_6 = arith.constant 0 : i32
    %dma_start3A_7 = arith.constant 0 : i32
    %dma_start3A_8 = tpu.memref_slice %arg3[%dma_start3A_6, %dma_start3A_7] : memref<100000x128xf32, #tpu.memory_space<hbm>> -> memref<100000x128xf32, #tpu.memory_space<hbm>>
    tpu.enqueue_indirect_dma source(%dma_start3A_8 : memref<100000x128xf32, #tpu.memory_space<hbm>>) target(%arg6 : memref<128x128xf32, #tpu.memory_space<vmem>>) offsets(%dma_start3A_5 : memref<128xi32, #tpu.memory_space<vmem>>) semaphore(%arg11 : memref<!tpu.dma_semaphore, #tpu.memory_space<semaphore_mem>>)
    %dma_start3A_9 = arith.constant 1 : i32
    %dma_start3A_10 = arith.constant 0 : i32
    %dma_start3A_11 = tpu.memref_slice %arg5[%dma_start3A_9, %dma_start3A_10] : memref<25x128xi32, #tpu.memory_space<vmem>> -> memref<1x128xi32, #tpu.memory_space<vmem>>
    %dma_start3A_12 = tpu.memref_squeeze %dma_start3A_11 : memref<1x128xi32, #tpu.memory_space<vmem>> -> memref<128xi32, #tpu.memory_space<vmem>>
    %dma_start3A_13 = arith.constant 0 : i32
    %dma_start3A_14 = arith.constant 0 : i32
    %dma_start3A_15 = tpu.memref_slice %arg3[%dma_start3A_13, %dma_start3A_14] : memref<100000x128xf32, #tpu.memory_space<hbm>> -> memref<100000x128xf32, #tpu.memory_space<hbm>>
    tpu.enqueue_indirect_dma source(%dma_start3A_15 : memref<100000x128xf32, #tpu.memory_space<hbm>>) target(%arg7 : memref<128x128xf32, #tpu.memory_space<vmem>>) offsets(%dma_start3A_12 : memref<128xi32, #tpu.memory_space<vmem>>) semaphore(%arg12 : memref<!tpu.dma_semaphore, #tpu.memory_space<semaphore_mem>>)
    %dma_start3A_16 = arith.constant 2 : i32
    %dma_start3A_17 = arith.constant 0 : i32
    %dma_start3A_18 = tpu.memref_slice %arg5[%dma_start3A_16, %dma_start3A_17] : memref<25x128xi32, #tpu.memory_space<vmem>> -> memref<1x128xi32, #tpu.memory_space<vmem>>
    %dma_start3A_19 = tpu.memref_squeeze %dma_start3A_18 : memref<1x128xi32, #tpu.memory_space<vmem>> -> memref<128xi32, #tpu.memory_space<vmem>>
    %dma_start3A_20 = arith.constant 0 : i32
    %dma_start3A_21 = arith.constant 0 : i32
    %dma_start3A_22 = tpu.memref_slice %arg3[%dma_start3A_20, %dma_start3A_21] : memref<100000x128xf32, #tpu.memory_space<hbm>> -> memref<100000x128xf32, #tpu.memory_space<hbm>>
    tpu.enqueue_indirect_dma source(%dma_start3A_22 : memref<100000x128xf32, #tpu.memory_space<hbm>>) target(%arg8 : memref<128x128xf32, #tpu.memory_space<vmem>>) offsets(%dma_start3A_19 : memref<128xi32, #tpu.memory_space<vmem>>) semaphore(%arg13 : memref<!tpu.dma_semaphore, #tpu.memory_space<semaphore_mem>>)
    %dma_start3A_23 = arith.constant 3 : i32
    %dma_start3A_24 = arith.constant 0 : i32
    %dma_start3A_25 = tpu.memref_slice %arg5[%dma_start3A_23, %dma_start3A_24] : memref<25x128xi32, #tpu.memory_space<vmem>> -> memref<1x128xi32, #tpu.memory_space<vmem>>
    %dma_start3A_26 = tpu.memref_squeeze %dma_start3A_25 : memref<1x128xi32, #tpu.memory_space<vmem>> -> memref<128xi32, #tpu.memory_space<vmem>>
    %dma_start3A_27 = arith.constant 0 : i32
    %dma_start3A_28 = arith.constant 0 : i32
    %dma_start3A_29 = tpu.memref_slice %arg3[%dma_start3A_27, %dma_start3A_28] : memref<100000x128xf32, #tpu.memory_space<hbm>> -> memref<100000x128xf32, #tpu.memory_space<hbm>>
    tpu.enqueue_indirect_dma source(%dma_start3A_29 : memref<100000x128xf32, #tpu.memory_space<hbm>>) target(%arg9 : memref<128x128xf32, #tpu.memory_space<vmem>>) offsets(%dma_start3A_26 : memref<128xi32, #tpu.memory_space<vmem>>) semaphore(%arg14 : memref<!tpu.dma_semaphore, #tpu.memory_space<semaphore_mem>>)
    %scan3A = arith.constant 0 : i32
    %scan3A_30 = arith.constant 5 : i32
    %scan3A_31 = arith.addi %scan3A, %scan3A_30 : i32
    %scan3A_32 = arith.constant 1 : i32
    scf.for %scan3A_63 = %scan3A to %scan3A_31 step %scan3A_32  : i32 {
      %mul3A_64 = arith.constant 1 : i32
      %mul3A_65 = arith.muli %scan3A_63, %mul3A_64 : i32
      %add3A_66 = arith.constant 0 : i32
      %add3A_67 = arith.addi %add3A_66, %mul3A_65 : i32
      %mul3A_68 = arith.constant 5 : i32
      %mul3A_69 = arith.muli %add3A_67, %mul3A_68 : i32
      %add3A_70 = arith.constant 0 : i32
      %add3A_71 = arith.addi %mul3A_69, %add3A_70 : i32
      %dma_wait3A_72 = arith.constant 0 : i32
      %dma_wait3A_73 = arith.constant 0 : i32
      %dma_wait3A_74 = tpu.memref_slice %arg3[%dma_wait3A_72, %dma_wait3A_73] : memref<100000x128xf32, #tpu.memory_space<hbm>> -> memref<128x128xf32, #tpu.memory_space<hbm>>
      %dma_wait3A_75 = arith.constant 0 : i32
      %dma_wait3A_76 = arith.constant 0 : i32
      %dma_wait3A_77 = tpu.memref_slice %arg3[%dma_wait3A_75, %dma_wait3A_76] : memref<100000x128xf32, #tpu.memory_space<hbm>> -> memref<128x128xf32, #tpu.memory_space<hbm>>
      tpu.wait_dma2 semaphore(%arg11 : memref<!tpu.dma_semaphore, #tpu.memory_space<semaphore_mem>>) src(%dma_wait3A_77 : memref<128x128xf32, #tpu.memory_space<hbm>>) dst(%arg6 : memref<128x128xf32, #tpu.memory_space<vmem>>)
      %add3A_78 = arith.constant 4 : i32
      %add3A_79 = arith.addi %add3A_71, %add3A_78 : i32
      %lt3A = arith.constant 25 : i32
      %lt3A_80 = arith.cmpi slt, %add3A_79, %lt3A : i32
      %convert_element_type3A = arith.extui %lt3A_80 : i1 to i32
      %cond3A = arith.constant 0 : i32
      %cond3A_81 = arith.cmpi ne, %convert_element_type3A, %cond3A : i32
      scf.if %cond3A_81 {
        %add3A_185 = arith.constant 4 : i32
        %add3A_186 = arith.addi %add3A_71, %add3A_185 : i32
        %ge3A = arith.constant 5 : i32
        %ge3A_187 = arith.cmpi sge, %add3A_186, %ge3A : i32
        %convert_element_type3A_188 = arith.extui %ge3A_187 : i1 to i32
        %cond3A_189 = arith.constant 0 : i32
        %cond3A_190 = arith.cmpi ne, %convert_element_type3A_188, %cond3A_189 : i32
        scf.if %cond3A_190 {
          %dma_wait3A_199 = arith.constant 0 : i32
          %dma_wait3A_200 = tpu.memref_slice %arg4[%mul3A_2, %dma_wait3A_199] : memref<102400x128xf32, #tpu.memory_space<hbm>> -> memref<128x128xf32, #tpu.memory_space<hbm>>
          %dma_wait3A_201 = arith.constant 0 : i32
          %dma_wait3A_202 = tpu.memref_slice %arg4[%mul3A_2, %dma_wait3A_201] : memref<102400x128xf32, #tpu.memory_space<hbm>> -> memref<128x128xf32, #tpu.memory_space<hbm>>
          tpu.wait_dma2 semaphore(%arg20 : memref<!tpu.dma_semaphore, #tpu.memory_space<semaphore_mem>>) src(%arg10 : memref<128x128xf32, #tpu.memory_space<vmem>>) dst(%dma_wait3A_202 : memref<128x128xf32, #tpu.memory_space<hbm>>)
        } else {
        }
        %add3A_191 = arith.constant 4 : i32
        %add3A_192 = arith.addi %add3A_71, %add3A_191 : i32
        %dma_start3A_193 = arith.constant 0 : i32
        %dma_start3A_194 = tpu.memref_slice %arg5[%add3A_192, %dma_start3A_193] : memref<25x128xi32, #tpu.memory_space<vmem>> -> memref<1x128xi32, #tpu.memory_space<vmem>>
        %dma_start3A_195 = tpu.memref_squeeze %dma_start3A_194 : memref<1x128xi32, #tpu.memory_space<vmem>> -> memref<128xi32, #tpu.memory_space<vmem>>
        %dma_start3A_196 = arith.constant 0 : i32
        %dma_start3A_197 = arith.constant 0 : i32
        %dma_start3A_198 = tpu.memref_slice %arg3[%dma_start3A_196, %dma_start3A_197] : memref<100000x128xf32, #tpu.memory_space<hbm>> -> memref<100000x128xf32, #tpu.memory_space<hbm>>
        tpu.enqueue_indirect_dma source(%dma_start3A_198 : memref<100000x128xf32, #tpu.memory_space<hbm>>) target(%arg10 : memref<128x128xf32, #tpu.memory_space<vmem>>) offsets(%dma_start3A_195 : memref<128xi32, #tpu.memory_space<vmem>>) semaphore(%arg15 : memref<!tpu.dma_semaphore, #tpu.memory_space<semaphore_mem>>)
      } else {
      }
      %mul3A_82 = arith.constant 128 : i32
      %mul3A_83 = arith.muli %add3A_71, %mul3A_82 : i32
      %add3A_84 = arith.addi %mul3A_2, %mul3A_83 : i32
      %dma_start3A_85 = arith.constant 0 : i32
      %dma_start3A_86 = tpu.memref_slice %arg4[%add3A_84, %dma_start3A_85] : memref<102400x128xf32, #tpu.memory_space<hbm>> -> memref<128x128xf32, #tpu.memory_space<hbm>>
      %dma_start3A_87 = arith.constant 0 : i32
      %dma_start3A_88 = tpu.memref_slice %arg4[%add3A_84, %dma_start3A_87] : memref<102400x128xf32, #tpu.memory_space<hbm>> -> memref<128x128xf32, #tpu.memory_space<hbm>>
      tpu.enqueue_dma source(%arg6 : memref<128x128xf32, #tpu.memory_space<vmem>>) target(%dma_start3A_88 : memref<128x128xf32, #tpu.memory_space<hbm>>) target_semaphore(%arg16 : memref<!tpu.dma_semaphore, #tpu.memory_space<semaphore_mem>>)
      %mul3A_89 = arith.constant 5 : i32
      %mul3A_90 = arith.muli %add3A_67, %mul3A_89 : i32
      %add3A_91 = arith.constant 1 : i32
      %add3A_92 = arith.addi %mul3A_90, %add3A_91 : i32
      %dma_wait3A_93 = arith.constant 0 : i32
      %dma_wait3A_94 = arith.constant 0 : i32
      %dma_wait3A_95 = tpu.memref_slice %arg3[%dma_wait3A_93, %dma_wait3A_94] : memref<100000x128xf32, #tpu.memory_space<hbm>> -> memref<128x128xf32, #tpu.memory_space<hbm>>
      %dma_wait3A_96 = arith.constant 0 : i32
      %dma_wait3A_97 = arith.constant 0 : i32
      %dma_wait3A_98 = tpu.memref_slice %arg3[%dma_wait3A_96, %dma_wait3A_97] : memref<100000x128xf32, #tpu.memory_space<hbm>> -> memref<128x128xf32, #tpu.memory_space<hbm>>
      tpu.wait_dma2 semaphore(%arg12 : memref<!tpu.dma_semaphore, #tpu.memory_space<semaphore_mem>>) src(%dma_wait3A_98 : memref<128x128xf32, #tpu.memory_space<hbm>>) dst(%arg7 : memref<128x128xf32, #tpu.memory_space<vmem>>)
      %add3A_99 = arith.constant 4 : i32
      %add3A_100 = arith.addi %add3A_92, %add3A_99 : i32
      %lt3A_101 = arith.constant 25 : i32
      %lt3A_102 = arith.cmpi slt, %add3A_100, %lt3A_101 : i32
      %convert_element_type3A_103 = arith.extui %lt3A_102 : i1 to i32
      %cond3A_104 = arith.constant 0 : i32
      %cond3A_105 = arith.cmpi ne, %convert_element_type3A_103, %cond3A_104 : i32
      scf.if %cond3A_105 {
        %add3A_185 = arith.constant 4 : i32
        %add3A_186 = arith.addi %add3A_92, %add3A_185 : i32
        %ge3A = arith.constant 5 : i32
        %ge3A_187 = arith.cmpi sge, %add3A_186, %ge3A : i32
        %convert_element_type3A_188 = arith.extui %ge3A_187 : i1 to i32
        %cond3A_189 = arith.constant 0 : i32
        %cond3A_190 = arith.cmpi ne, %convert_element_type3A_188, %cond3A_189 : i32
        scf.if %cond3A_190 {
          %dma_wait3A_199 = arith.constant 0 : i32
          %dma_wait3A_200 = tpu.memref_slice %arg4[%mul3A_2, %dma_wait3A_199] : memref<102400x128xf32, #tpu.memory_space<hbm>> -> memref<128x128xf32, #tpu.memory_space<hbm>>
          %dma_wait3A_201 = arith.constant 0 : i32
          %dma_wait3A_202 = tpu.memref_slice %arg4[%mul3A_2, %dma_wait3A_201] : memref<102400x128xf32, #tpu.memory_space<hbm>> -> memref<128x128xf32, #tpu.memory_space<hbm>>
          tpu.wait_dma2 semaphore(%arg16 : memref<!tpu.dma_semaphore, #tpu.memory_space<semaphore_mem>>) src(%arg6 : memref<128x128xf32, #tpu.memory_space<vmem>>) dst(%dma_wait3A_202 : memref<128x128xf32, #tpu.memory_space<hbm>>)
        } else {
        }
        %add3A_191 = arith.constant 4 : i32
        %add3A_192 = arith.addi %add3A_92, %add3A_191 : i32
        %dma_start3A_193 = arith.constant 0 : i32
        %dma_start3A_194 = tpu.memref_slice %arg5[%add3A_192, %dma_start3A_193] : memref<25x128xi32, #tpu.memory_space<vmem>> -> memref<1x128xi32, #tpu.memory_space<vmem>>
        %dma_start3A_195 = tpu.memref_squeeze %dma_start3A_194 : memref<1x128xi32, #tpu.memory_space<vmem>> -> memref<128xi32, #tpu.memory_space<vmem>>
        %dma_start3A_196 = arith.constant 0 : i32
        %dma_start3A_197 = arith.constant 0 : i32
        %dma_start3A_198 = tpu.memref_slice %arg3[%dma_start3A_196, %dma_start3A_197] : memref<100000x128xf32, #tpu.memory_space<hbm>> -> memref<100000x128xf32, #tpu.memory_space<hbm>>
        tpu.enqueue_indirect_dma source(%dma_start3A_198 : memref<100000x128xf32, #tpu.memory_space<hbm>>) target(%arg6 : memref<128x128xf32, #tpu.memory_space<vmem>>) offsets(%dma_start3A_195 : memref<128xi32, #tpu.memory_space<vmem>>) semaphore(%arg11 : memref<!tpu.dma_semaphore, #tpu.memory_space<semaphore_mem>>)
      } else {
      }
      %mul3A_106 = arith.constant 128 : i32
      %mul3A_107 = arith.muli %add3A_92, %mul3A_106 : i32
      %add3A_108 = arith.addi %mul3A_2, %mul3A_107 : i32
      %dma_start3A_109 = arith.constant 0 : i32
      %dma_start3A_110 = tpu.memref_slice %arg4[%add3A_108, %dma_start3A_109] : memref<102400x128xf32, #tpu.memory_space<hbm>> -> memref<128x128xf32, #tpu.memory_space<hbm>>
      %dma_start3A_111 = arith.constant 0 : i32
      %dma_start3A_112 = tpu.memref_slice %arg4[%add3A_108, %dma_start3A_111] : memref<102400x128xf32, #tpu.memory_space<hbm>> -> memref<128x128xf32, #tpu.memory_space<hbm>>
      tpu.enqueue_dma source(%arg7 : memref<128x128xf32, #tpu.memory_space<vmem>>) target(%dma_start3A_112 : memref<128x128xf32, #tpu.memory_space<hbm>>) target_semaphore(%arg17 : memref<!tpu.dma_semaphore, #tpu.memory_space<semaphore_mem>>)
      %mul3A_113 = arith.constant 5 : i32
      %mul3A_114 = arith.muli %add3A_67, %mul3A_113 : i32
      %add3A_115 = arith.constant 2 : i32
      %add3A_116 = arith.addi %mul3A_114, %add3A_115 : i32
      %dma_wait3A_117 = arith.constant 0 : i32
      %dma_wait3A_118 = arith.constant 0 : i32
      %dma_wait3A_119 = tpu.memref_slice %arg3[%dma_wait3A_117, %dma_wait3A_118] : memref<100000x128xf32, #tpu.memory_space<hbm>> -> memref<128x128xf32, #tpu.memory_space<hbm>>
      %dma_wait3A_120 = arith.constant 0 : i32
      %dma_wait3A_121 = arith.constant 0 : i32
      %dma_wait3A_122 = tpu.memref_slice %arg3[%dma_wait3A_120, %dma_wait3A_121] : memref<100000x128xf32, #tpu.memory_space<hbm>> -> memref<128x128xf32, #tpu.memory_space<hbm>>
      tpu.wait_dma2 semaphore(%arg13 : memref<!tpu.dma_semaphore, #tpu.memory_space<semaphore_mem>>) src(%dma_wait3A_122 : memref<128x128xf32, #tpu.memory_space<hbm>>) dst(%arg8 : memref<128x128xf32, #tpu.memory_space<vmem>>)
      %add3A_123 = arith.constant 4 : i32
      %add3A_124 = arith.addi %add3A_116, %add3A_123 : i32
      %lt3A_125 = arith.constant 25 : i32
      %lt3A_126 = arith.cmpi slt, %add3A_124, %lt3A_125 : i32
      %convert_element_type3A_127 = arith.extui %lt3A_126 : i1 to i32
      %cond3A_128 = arith.constant 0 : i32
      %cond3A_129 = arith.cmpi ne, %convert_element_type3A_127, %cond3A_128 : i32
      scf.if %cond3A_129 {
        %add3A_185 = arith.constant 4 : i32
        %add3A_186 = arith.addi %add3A_116, %add3A_185 : i32
        %ge3A = arith.constant 5 : i32
        %ge3A_187 = arith.cmpi sge, %add3A_186, %ge3A : i32
        %convert_element_type3A_188 = arith.extui %ge3A_187 : i1 to i32
        %cond3A_189 = arith.constant 0 : i32
        %cond3A_190 = arith.cmpi ne, %convert_element_type3A_188, %cond3A_189 : i32
        scf.if %cond3A_190 {
          %dma_wait3A_199 = arith.constant 0 : i32
          %dma_wait3A_200 = tpu.memref_slice %arg4[%mul3A_2, %dma_wait3A_199] : memref<102400x128xf32, #tpu.memory_space<hbm>> -> memref<128x128xf32, #tpu.memory_space<hbm>>
          %dma_wait3A_201 = arith.constant 0 : i32
          %dma_wait3A_202 = tpu.memref_slice %arg4[%mul3A_2, %dma_wait3A_201] : memref<102400x128xf32, #tpu.memory_space<hbm>> -> memref<128x128xf32, #tpu.memory_space<hbm>>
          tpu.wait_dma2 semaphore(%arg17 : memref<!tpu.dma_semaphore, #tpu.memory_space<semaphore_mem>>) src(%arg7 : memref<128x128xf32, #tpu.memory_space<vmem>>) dst(%dma_wait3A_202 : memref<128x128xf32, #tpu.memory_space<hbm>>)
        } else {
        }
        %add3A_191 = arith.constant 4 : i32
        %add3A_192 = arith.addi %add3A_116, %add3A_191 : i32
        %dma_start3A_193 = arith.constant 0 : i32
        %dma_start3A_194 = tpu.memref_slice %arg5[%add3A_192, %dma_start3A_193] : memref<25x128xi32, #tpu.memory_space<vmem>> -> memref<1x128xi32, #tpu.memory_space<vmem>>
        %dma_start3A_195 = tpu.memref_squeeze %dma_start3A_194 : memref<1x128xi32, #tpu.memory_space<vmem>> -> memref<128xi32, #tpu.memory_space<vmem>>
        %dma_start3A_196 = arith.constant 0 : i32
        %dma_start3A_197 = arith.constant 0 : i32
        %dma_start3A_198 = tpu.memref_slice %arg3[%dma_start3A_196, %dma_start3A_197] : memref<100000x128xf32, #tpu.memory_space<hbm>> -> memref<100000x128xf32, #tpu.memory_space<hbm>>
        tpu.enqueue_indirect_dma source(%dma_start3A_198 : memref<100000x128xf32, #tpu.memory_space<hbm>>) target(%arg7 : memref<128x128xf32, #tpu.memory_space<vmem>>) offsets(%dma_start3A_195 : memref<128xi32, #tpu.memory_space<vmem>>) semaphore(%arg12 : memref<!tpu.dma_semaphore, #tpu.memory_space<semaphore_mem>>)
      } else {
      }
      %mul3A_130 = arith.constant 128 : i32
      %mul3A_131 = arith.muli %add3A_116, %mul3A_130 : i32
      %add3A_132 = arith.addi %mul3A_2, %mul3A_131 : i32
      %dma_start3A_133 = arith.constant 0 : i32
      %dma_start3A_134 = tpu.memref_slice %arg4[%add3A_132, %dma_start3A_133] : memref<102400x128xf32, #tpu.memory_space<hbm>> -> memref<128x128xf32, #tpu.memory_space<hbm>>
      %dma_start3A_135 = arith.constant 0 : i32
      %dma_start3A_136 = tpu.memref_slice %arg4[%add3A_132, %dma_start3A_135] : memref<102400x128xf32, #tpu.memory_space<hbm>> -> memref<128x128xf32, #tpu.memory_space<hbm>>
      tpu.enqueue_dma source(%arg8 : memref<128x128xf32, #tpu.memory_space<vmem>>) target(%dma_start3A_136 : memref<128x128xf32, #tpu.memory_space<hbm>>) target_semaphore(%arg18 : memref<!tpu.dma_semaphore, #tpu.memory_space<semaphore_mem>>)
      %mul3A_137 = arith.constant 5 : i32
      %mul3A_138 = arith.muli %add3A_67, %mul3A_137 : i32
      %add3A_139 = arith.constant 3 : i32
      %add3A_140 = arith.addi %mul3A_138, %add3A_139 : i32
      %dma_wait3A_141 = arith.constant 0 : i32
      %dma_wait3A_142 = arith.constant 0 : i32
      %dma_wait3A_143 = tpu.memref_slice %arg3[%dma_wait3A_141, %dma_wait3A_142] : memref<100000x128xf32, #tpu.memory_space<hbm>> -> memref<128x128xf32, #tpu.memory_space<hbm>>
      %dma_wait3A_144 = arith.constant 0 : i32
      %dma_wait3A_145 = arith.constant 0 : i32
      %dma_wait3A_146 = tpu.memref_slice %arg3[%dma_wait3A_144, %dma_wait3A_145] : memref<100000x128xf32, #tpu.memory_space<hbm>> -> memref<128x128xf32, #tpu.memory_space<hbm>>
      tpu.wait_dma2 semaphore(%arg14 : memref<!tpu.dma_semaphore, #tpu.memory_space<semaphore_mem>>) src(%dma_wait3A_146 : memref<128x128xf32, #tpu.memory_space<hbm>>) dst(%arg9 : memref<128x128xf32, #tpu.memory_space<vmem>>)
      %add3A_147 = arith.constant 4 : i32
      %add3A_148 = arith.addi %add3A_140, %add3A_147 : i32
      %lt3A_149 = arith.constant 25 : i32
      %lt3A_150 = arith.cmpi slt, %add3A_148, %lt3A_149 : i32
      %convert_element_type3A_151 = arith.extui %lt3A_150 : i1 to i32
      %cond3A_152 = arith.constant 0 : i32
      %cond3A_153 = arith.cmpi ne, %convert_element_type3A_151, %cond3A_152 : i32
      scf.if %cond3A_153 {
        %add3A_185 = arith.constant 4 : i32
        %add3A_186 = arith.addi %add3A_140, %add3A_185 : i32
        %ge3A = arith.constant 5 : i32
        %ge3A_187 = arith.cmpi sge, %add3A_186, %ge3A : i32
        %convert_element_type3A_188 = arith.extui %ge3A_187 : i1 to i32
        %cond3A_189 = arith.constant 0 : i32
        %cond3A_190 = arith.cmpi ne, %convert_element_type3A_188, %cond3A_189 : i32
        scf.if %cond3A_190 {
          %dma_wait3A_199 = arith.constant 0 : i32
          %dma_wait3A_200 = tpu.memref_slice %arg4[%mul3A_2, %dma_wait3A_199] : memref<102400x128xf32, #tpu.memory_space<hbm>> -> memref<128x128xf32, #tpu.memory_space<hbm>>
          %dma_wait3A_201 = arith.constant 0 : i32
          %dma_wait3A_202 = tpu.memref_slice %arg4[%mul3A_2, %dma_wait3A_201] : memref<102400x128xf32, #tpu.memory_space<hbm>> -> memref<128x128xf32, #tpu.memory_space<hbm>>
          tpu.wait_dma2 semaphore(%arg18 : memref<!tpu.dma_semaphore, #tpu.memory_space<semaphore_mem>>) src(%arg8 : memref<128x128xf32, #tpu.memory_space<vmem>>) dst(%dma_wait3A_202 : memref<128x128xf32, #tpu.memory_space<hbm>>)
        } else {
        }
        %add3A_191 = arith.constant 4 : i32
        %add3A_192 = arith.addi %add3A_140, %add3A_191 : i32
        %dma_start3A_193 = arith.constant 0 : i32
        %dma_start3A_194 = tpu.memref_slice %arg5[%add3A_192, %dma_start3A_193] : memref<25x128xi32, #tpu.memory_space<vmem>> -> memref<1x128xi32, #tpu.memory_space<vmem>>
        %dma_start3A_195 = tpu.memref_squeeze %dma_start3A_194 : memref<1x128xi32, #tpu.memory_space<vmem>> -> memref<128xi32, #tpu.memory_space<vmem>>
        %dma_start3A_196 = arith.constant 0 : i32
        %dma_start3A_197 = arith.constant 0 : i32
        %dma_start3A_198 = tpu.memref_slice %arg3[%dma_start3A_196, %dma_start3A_197] : memref<100000x128xf32, #tpu.memory_space<hbm>> -> memref<100000x128xf32, #tpu.memory_space<hbm>>
        tpu.enqueue_indirect_dma source(%dma_start3A_198 : memref<100000x128xf32, #tpu.memory_space<hbm>>) target(%arg8 : memref<128x128xf32, #tpu.memory_space<vmem>>) offsets(%dma_start3A_195 : memref<128xi32, #tpu.memory_space<vmem>>) semaphore(%arg13 : memref<!tpu.dma_semaphore, #tpu.memory_space<semaphore_mem>>)
      } else {
      }
      %mul3A_154 = arith.constant 128 : i32
      %mul3A_155 = arith.muli %add3A_140, %mul3A_154 : i32
      %add3A_156 = arith.addi %mul3A_2, %mul3A_155 : i32
      %dma_start3A_157 = arith.constant 0 : i32
      %dma_start3A_158 = tpu.memref_slice %arg4[%add3A_156, %dma_start3A_157] : memref<102400x128xf32, #tpu.memory_space<hbm>> -> memref<128x128xf32, #tpu.memory_space<hbm>>
      %dma_start3A_159 = arith.constant 0 : i32
      %dma_start3A_160 = tpu.memref_slice %arg4[%add3A_156, %dma_start3A_159] : memref<102400x128xf32, #tpu.memory_space<hbm>> -> memref<128x128xf32, #tpu.memory_space<hbm>>
      tpu.enqueue_dma source(%arg9 : memref<128x128xf32, #tpu.memory_space<vmem>>) target(%dma_start3A_160 : memref<128x128xf32, #tpu.memory_space<hbm>>) target_semaphore(%arg19 : memref<!tpu.dma_semaphore, #tpu.memory_space<semaphore_mem>>)
      %mul3A_161 = arith.constant 5 : i32
      %mul3A_162 = arith.muli %add3A_67, %mul3A_161 : i32
      %add3A_163 = arith.constant 4 : i32
      %add3A_164 = arith.addi %mul3A_162, %add3A_163 : i32
      %dma_wait3A_165 = arith.constant 0 : i32
      %dma_wait3A_166 = arith.constant 0 : i32
      %dma_wait3A_167 = tpu.memref_slice %arg3[%dma_wait3A_165, %dma_wait3A_166] : memref<100000x128xf32, #tpu.memory_space<hbm>> -> memref<128x128xf32, #tpu.memory_space<hbm>>
      %dma_wait3A_168 = arith.constant 0 : i32
      %dma_wait3A_169 = arith.constant 0 : i32
      %dma_wait3A_170 = tpu.memref_slice %arg3[%dma_wait3A_168, %dma_wait3A_169] : memref<100000x128xf32, #tpu.memory_space<hbm>> -> memref<128x128xf32, #tpu.memory_space<hbm>>
      tpu.wait_dma2 semaphore(%arg15 : memref<!tpu.dma_semaphore, #tpu.memory_space<semaphore_mem>>) src(%dma_wait3A_170 : memref<128x128xf32, #tpu.memory_space<hbm>>) dst(%arg10 : memref<128x128xf32, #tpu.memory_space<vmem>>)
      %add3A_171 = arith.constant 4 : i32
      %add3A_172 = arith.addi %add3A_164, %add3A_171 : i32
      %lt3A_173 = arith.constant 25 : i32
      %lt3A_174 = arith.cmpi slt, %add3A_172, %lt3A_173 : i32
      %convert_element_type3A_175 = arith.extui %lt3A_174 : i1 to i32
      %cond3A_176 = arith.constant 0 : i32
      %cond3A_177 = arith.cmpi ne, %convert_element_type3A_175, %cond3A_176 : i32
      scf.if %cond3A_177 {
        %add3A_185 = arith.constant 4 : i32
        %add3A_186 = arith.addi %add3A_164, %add3A_185 : i32
        %ge3A = arith.constant 5 : i32
        %ge3A_187 = arith.cmpi sge, %add3A_186, %ge3A : i32
        %convert_element_type3A_188 = arith.extui %ge3A_187 : i1 to i32
        %cond3A_189 = arith.constant 0 : i32
        %cond3A_190 = arith.cmpi ne, %convert_element_type3A_188, %cond3A_189 : i32
        scf.if %cond3A_190 {
          %dma_wait3A_199 = arith.constant 0 : i32
          %dma_wait3A_200 = tpu.memref_slice %arg4[%mul3A_2, %dma_wait3A_199] : memref<102400x128xf32, #tpu.memory_space<hbm>> -> memref<128x128xf32, #tpu.memory_space<hbm>>
          %dma_wait3A_201 = arith.constant 0 : i32
          %dma_wait3A_202 = tpu.memref_slice %arg4[%mul3A_2, %dma_wait3A_201] : memref<102400x128xf32, #tpu.memory_space<hbm>> -> memref<128x128xf32, #tpu.memory_space<hbm>>
          tpu.wait_dma2 semaphore(%arg19 : memref<!tpu.dma_semaphore, #tpu.memory_space<semaphore_mem>>) src(%arg9 : memref<128x128xf32, #tpu.memory_space<vmem>>) dst(%dma_wait3A_202 : memref<128x128xf32, #tpu.memory_space<hbm>>)
        } else {
        }
        %add3A_191 = arith.constant 4 : i32
        %add3A_192 = arith.addi %add3A_164, %add3A_191 : i32
        %dma_start3A_193 = arith.constant 0 : i32
        %dma_start3A_194 = tpu.memref_slice %arg5[%add3A_192, %dma_start3A_193] : memref<25x128xi32, #tpu.memory_space<vmem>> -> memref<1x128xi32, #tpu.memory_space<vmem>>
        %dma_start3A_195 = tpu.memref_squeeze %dma_start3A_194 : memref<1x128xi32, #tpu.memory_space<vmem>> -> memref<128xi32, #tpu.memory_space<vmem>>
        %dma_start3A_196 = arith.constant 0 : i32
        %dma_start3A_197 = arith.constant 0 : i32
        %dma_start3A_198 = tpu.memref_slice %arg3[%dma_start3A_196, %dma_start3A_197] : memref<100000x128xf32, #tpu.memory_space<hbm>> -> memref<100000x128xf32, #tpu.memory_space<hbm>>
        tpu.enqueue_indirect_dma source(%dma_start3A_198 : memref<100000x128xf32, #tpu.memory_space<hbm>>) target(%arg9 : memref<128x128xf32, #tpu.memory_space<vmem>>) offsets(%dma_start3A_195 : memref<128xi32, #tpu.memory_space<vmem>>) semaphore(%arg14 : memref<!tpu.dma_semaphore, #tpu.memory_space<semaphore_mem>>)
      } else {
      }
      %mul3A_178 = arith.constant 128 : i32
      %mul3A_179 = arith.muli %add3A_164, %mul3A_178 : i32
      %add3A_180 = arith.addi %mul3A_2, %mul3A_179 : i32
      %dma_start3A_181 = arith.constant 0 : i32
      %dma_start3A_182 = tpu.memref_slice %arg4[%add3A_180, %dma_start3A_181] : memref<102400x128xf32, #tpu.memory_space<hbm>> -> memref<128x128xf32, #tpu.memory_space<hbm>>
      %dma_start3A_183 = arith.constant 0 : i32
      %dma_start3A_184 = tpu.memref_slice %arg4[%add3A_180, %dma_start3A_183] : memref<102400x128xf32, #tpu.memory_space<hbm>> -> memref<128x128xf32, #tpu.memory_space<hbm>>
      tpu.enqueue_dma source(%arg10 : memref<128x128xf32, #tpu.memory_space<vmem>>) target(%dma_start3A_184 : memref<128x128xf32, #tpu.memory_space<hbm>>) target_semaphore(%arg20 : memref<!tpu.dma_semaphore, #tpu.memory_space<semaphore_mem>>)
    }
    %scan3A_33 = arith.constant 5 : i32
    %add3A_34 = arith.constant 2560 : i32
    %add3A_35 = arith.addi %mul3A_2, %add3A_34 : i32
    %dma_wait3A = arith.constant 0 : i32
    %dma_wait3A_36 = tpu.memref_slice %arg4[%add3A_35, %dma_wait3A] : memref<102400x128xf32, #tpu.memory_space<hbm>> -> memref<128x128xf32, #tpu.memory_space<hbm>>
    %dma_wait3A_37 = arith.constant 0 : i32
    %dma_wait3A_38 = tpu.memref_slice %arg4[%add3A_35, %dma_wait3A_37] : memref<102400x128xf32, #tpu.memory_space<hbm>> -> memref<128x128xf32, #tpu.memory_space<hbm>>
    tpu.wait_dma2 semaphore(%arg16 : memref<!tpu.dma_semaphore, #tpu.memory_space<semaphore_mem>>) src(%arg6 : memref<128x128xf32, #tpu.memory_space<vmem>>) dst(%dma_wait3A_38 : memref<128x128xf32, #tpu.memory_space<hbm>>)
    %add3A_39 = arith.constant 2688 : i32
    %add3A_40 = arith.addi %mul3A_2, %add3A_39 : i32
    %dma_wait3A_41 = arith.constant 0 : i32
    %dma_wait3A_42 = tpu.memref_slice %arg4[%add3A_40, %dma_wait3A_41] : memref<102400x128xf32, #tpu.memory_space<hbm>> -> memref<128x128xf32, #tpu.memory_space<hbm>>
    %dma_wait3A_43 = arith.constant 0 : i32
    %dma_wait3A_44 = tpu.memref_slice %arg4[%add3A_40, %dma_wait3A_43] : memref<102400x128xf32, #tpu.memory_space<hbm>> -> memref<128x128xf32, #tpu.memory_space<hbm>>
    tpu.wait_dma2 semaphore(%arg17 : memref<!tpu.dma_semaphore, #tpu.memory_space<semaphore_mem>>) src(%arg7 : memref<128x128xf32, #tpu.memory_space<vmem>>) dst(%dma_wait3A_44 : memref<128x128xf32, #tpu.memory_space<hbm>>)
    %add3A_45 = arith.constant 2816 : i32
    %add3A_46 = arith.addi %mul3A_2, %add3A_45 : i32
    %dma_wait3A_47 = arith.constant 0 : i32
    %dma_wait3A_48 = tpu.memref_slice %arg4[%add3A_46, %dma_wait3A_47] : memref<102400x128xf32, #tpu.memory_space<hbm>> -> memref<128x128xf32, #tpu.memory_space<hbm>>
    %dma_wait3A_49 = arith.constant 0 : i32
    %dma_wait3A_50 = tpu.memref_slice %arg4[%add3A_46, %dma_wait3A_49] : memref<102400x128xf32, #tpu.memory_space<hbm>> -> memref<128x128xf32, #tpu.memory_space<hbm>>
    tpu.wait_dma2 semaphore(%arg18 : memref<!tpu.dma_semaphore, #tpu.memory_space<semaphore_mem>>) src(%arg8 : memref<128x128xf32, #tpu.memory_space<vmem>>) dst(%dma_wait3A_50 : memref<128x128xf32, #tpu.memory_space<hbm>>)
    %add3A_51 = arith.constant 2944 : i32
    %add3A_52 = arith.addi %mul3A_2, %add3A_51 : i32
    %dma_wait3A_53 = arith.constant 0 : i32
    %dma_wait3A_54 = tpu.memref_slice %arg4[%add3A_52, %dma_wait3A_53] : memref<102400x128xf32, #tpu.memory_space<hbm>> -> memref<128x128xf32, #tpu.memory_space<hbm>>
    %dma_wait3A_55 = arith.constant 0 : i32
    %dma_wait3A_56 = tpu.memref_slice %arg4[%add3A_52, %dma_wait3A_55] : memref<102400x128xf32, #tpu.memory_space<hbm>> -> memref<128x128xf32, #tpu.memory_space<hbm>>
    tpu.wait_dma2 semaphore(%arg19 : memref<!tpu.dma_semaphore, #tpu.memory_space<semaphore_mem>>) src(%arg9 : memref<128x128xf32, #tpu.memory_space<vmem>>) dst(%dma_wait3A_56 : memref<128x128xf32, #tpu.memory_space<hbm>>)
    %add3A_57 = arith.constant 3072 : i32
    %add3A_58 = arith.addi %mul3A_2, %add3A_57 : i32
    %dma_wait3A_59 = arith.constant 0 : i32
    %dma_wait3A_60 = tpu.memref_slice %arg4[%add3A_58, %dma_wait3A_59] : memref<102400x128xf32, #tpu.memory_space<hbm>> -> memref<128x128xf32, #tpu.memory_space<hbm>>
    %dma_wait3A_61 = arith.constant 0 : i32
    %dma_wait3A_62 = tpu.memref_slice %arg4[%add3A_58, %dma_wait3A_61] : memref<102400x128xf32, #tpu.memory_space<hbm>> -> memref<128x128xf32, #tpu.memory_space<hbm>>
    tpu.wait_dma2 semaphore(%arg20 : memref<!tpu.dma_semaphore, #tpu.memory_space<semaphore_mem>>) src(%arg10 : memref<128x128xf32, #tpu.memory_space<vmem>>) dst(%dma_wait3A_62 : memref<128x128xf32, #tpu.memory_space<hbm>>)
    return
  }
}

module attributes {stable_mosaic.version = 14 : i64} {
  func.func @_tc_ln_first_body(%arg0: i32, %arg1: memref<32x200x128xf32, #tpu.memory_space<vmem>>, %arg2: memref<200x128xf32, #tpu.memory_space<vmem>>, %arg3: memref<1x128xf32, #tpu.memory_space<vmem>>, %arg4: memref<1x128xf32, #tpu.memory_space<vmem>>, %arg5: memref<32x200x128xf32, #tpu.memory_space<vmem>>) attributes {dimension_semantics = [#tpu.dimension_semantics<arbitrary>], iteration_bounds = array<i64: 16>, scalar_prefetch = 0 : i64, scratch_operands = 0 : i64, tpu.core_type = #tpu.core_type<tc>, window_params = [{transform_indices = @transform_0, window_bounds = array<i64: 32, 200, 128>}, {pipeline_mode = #tpu.pipeline_mode<synchronous>, transform_indices = @transform_1, window_bounds = array<i64: 200, 128>}, {pipeline_mode = #tpu.pipeline_mode<synchronous>, transform_indices = @transform_2, window_bounds = array<i64: 1, 128>}, {pipeline_mode = #tpu.pipeline_mode<synchronous>, transform_indices = @transform_3, window_bounds = array<i64: 1, 128>}, {transform_indices = @transform_4, window_bounds = array<i64: 32, 200, 128>}]} {
    %get3A = arith.constant 0 : index
    %get3A_0 = arith.constant 0 : index
    %get3A_1 = arith.constant 0 : index
    %get3A_2 = vector.load %arg1[%get3A, %get3A_0, %get3A_1] : memref<32x200x128xf32, #tpu.memory_space<vmem>>, vector<32x200x128xf32>
    %get3A_3 = arith.constant 0 : index
    %get3A_4 = arith.constant 0 : index
    %get3A_5 = vector.load %arg2[%get3A_3, %get3A_4] : memref<200x128xf32, #tpu.memory_space<vmem>>, vector<200x128xf32>
    %broadcast_in_dim3A = vector.shape_cast %get3A_5 : vector<200x128xf32> to vector<1x200x128xf32>
    %add3A = vector.broadcast %broadcast_in_dim3A : vector<1x200x128xf32> to vector<32x200x128xf32>
    %add3A_6 = arith.addf %get3A_2, %add3A : vector<32x200x128xf32>
    %reduce_sum3A = arith.constant dense<0.000000e+00> : vector<32x200xf32>
    %reduce_sum3A_7 = vector.multi_reduction <add>, %add3A_6, %reduce_sum3A [2] : vector<32x200x128xf32> to vector<32x200xf32>
    %broadcast_in_dim3A_8 = vector.shape_cast %reduce_sum3A_7 : vector<32x200xf32> to vector<32x200x1xf32>
    %div3A = arith.constant 1.280000e+02 : f32
    %div3A_9 = vector.broadcast %div3A : f32 to vector<32x200x1xf32>
    %div3A_10 = arith.divf %broadcast_in_dim3A_8, %div3A_9 : vector<32x200x1xf32>
    %sub3A = vector.broadcast %div3A_10 : vector<32x200x1xf32> to vector<32x200x128xf32>
    %sub3A_11 = arith.subf %add3A_6, %sub3A : vector<32x200x128xf32>
    %mul3A = arith.mulf %sub3A_11, %sub3A_11 : vector<32x200x128xf32>
    %reduce_sum3A_12 = arith.constant dense<0.000000e+00> : vector<32x200xf32>
    %reduce_sum3A_13 = vector.multi_reduction <add>, %mul3A, %reduce_sum3A_12 [2] : vector<32x200x128xf32> to vector<32x200xf32>
    %broadcast_in_dim3A_14 = vector.shape_cast %reduce_sum3A_13 : vector<32x200xf32> to vector<32x200x1xf32>
    %div3A_15 = arith.constant 1.280000e+02 : f32
    %div3A_16 = vector.broadcast %div3A_15 : f32 to vector<32x200x1xf32>
    %div3A_17 = arith.divf %broadcast_in_dim3A_14, %div3A_16 : vector<32x200x1xf32>
    %add3A_18 = arith.constant 9.99999996E-13 : f32
    %add3A_19 = vector.broadcast %add3A_18 : f32 to vector<32x200x1xf32>
    %add3A_20 = arith.addf %div3A_17, %add3A_19 : vector<32x200x1xf32>
    %rsqrt3A = math.rsqrt %add3A_20 : vector<32x200x1xf32>
    %mul3A_21 = vector.broadcast %rsqrt3A : vector<32x200x1xf32> to vector<32x200x128xf32>
    %mul3A_22 = arith.mulf %sub3A_11, %mul3A_21 : vector<32x200x128xf32>
    %get3A_23 = arith.constant 0 : index
    %get3A_24 = arith.constant 0 : index
    %get3A_25 = vector.load %arg3[%get3A_23, %get3A_24] : memref<1x128xf32, #tpu.memory_space<vmem>>, vector<1x128xf32>
    %get3A_26 = vector.shape_cast %get3A_25 : vector<1x128xf32> to vector<128xf32>
    %broadcast_in_dim3A_27 = vector.shape_cast %get3A_26 : vector<128xf32> to vector<1x1x128xf32>
    %mul3A_28 = vector.broadcast %broadcast_in_dim3A_27 : vector<1x1x128xf32> to vector<32x200x128xf32>
    %mul3A_29 = arith.mulf %mul3A_22, %mul3A_28 : vector<32x200x128xf32>
    %get3A_30 = arith.constant 0 : index
    %get3A_31 = arith.constant 0 : index
    %get3A_32 = vector.load %arg4[%get3A_30, %get3A_31] : memref<1x128xf32, #tpu.memory_space<vmem>>, vector<1x128xf32>
    %get3A_33 = vector.shape_cast %get3A_32 : vector<1x128xf32> to vector<128xf32>
    %broadcast_in_dim3A_34 = vector.shape_cast %get3A_33 : vector<128xf32> to vector<1x1x128xf32>
    %add3A_35 = vector.broadcast %broadcast_in_dim3A_34 : vector<1x1x128xf32> to vector<32x200x128xf32>
    %add3A_36 = arith.addf %mul3A_29, %add3A_35 : vector<32x200x128xf32>
    %swap3A = arith.constant 0 : index
    %swap3A_37 = arith.constant 0 : index
    %swap3A_38 = arith.constant 0 : index
    %swap3A_39 = vector.load %arg5[%swap3A, %swap3A_37, %swap3A_38] : memref<32x200x128xf32, #tpu.memory_space<vmem>>, vector<32x200x128xf32>
    tpu.vector_store %arg5[%swap3A, %swap3A_37, %swap3A_38], %add3A_36 {strides = array<i32>} : memref<32x200x128xf32, #tpu.memory_space<vmem>>, vector<32x200x128xf32>,
    return
  }
  func.func @transform_0(%arg0: i32) -> (i32, i32, i32) {
    %c0_i32 = arith.constant 0 : i32
    %c0_i32_0 = arith.constant 0 : i32
    %c0_i32_1 = arith.constant 0 : i32
    return %arg0, %c0_i32, %c0_i32_0 : i32, i32, i32
  }
  func.func @transform_1(%arg0: i32) -> (i32, i32) {
    %c0_i32 = arith.constant 0 : i32
    %c0_i32_0 = arith.constant 0 : i32
    %c0_i32_1 = arith.constant 0 : i32
    return %c0_i32, %c0_i32_0 : i32, i32
  }
  func.func @transform_2(%arg0: i32) -> (i32, i32) {
    %c0_i32 = arith.constant 0 : i32
    %c0_i32_0 = arith.constant 0 : i32
    %c0_i32_1 = arith.constant 0 : i32
    return %c0_i32, %c0_i32_0 : i32, i32
  }
  func.func @transform_3(%arg0: i32) -> (i32, i32) {
    %c0_i32 = arith.constant 0 : i32
    %c0_i32_0 = arith.constant 0 : i32
    %c0_i32_1 = arith.constant 0 : i32
    return %c0_i32, %c0_i32_0 : i32, i32
  }
  func.func @transform_4(%arg0: i32) -> (i32, i32, i32) {
    %c0_i32 = arith.constant 0 : i32
    %c0_i32_0 = arith.constant 0 : i32
    %c0_i32_1 = arith.constant 0 : i32
    return %arg0, %c0_i32, %c0_i32_0 : i32, i32, i32
  }
}

module attributes {stable_mosaic.version = 14 : i64} {
  func.func @_tc_ln_body(%arg0: i32, %arg1: memref<1024x200x128xf32, #tpu.memory_space<any>>, %arg2: memref<32x200x128xf32, #tpu.memory_space<vmem>>, %arg3: memref<200x128xf32, #tpu.memory_space<vmem>>, %arg4: memref<1x128xf32, #tpu.memory_space<vmem>>, %arg5: memref<1x128xf32, #tpu.memory_space<vmem>>, %arg6: memref<32x200x128xf32, #tpu.memory_space<vmem>>) attributes {dimension_semantics = [#tpu.dimension_semantics<arbitrary>], iteration_bounds = array<i64: 16>, scalar_prefetch = 0 : i64, scratch_operands = 0 : i64, tpu.core_type = #tpu.core_type<tc>, window_params = [{}, {transform_indices = @transform_1, window_bounds = array<i64: 32, 200, 128>}, {pipeline_mode = #tpu.pipeline_mode<synchronous>, transform_indices = @transform_2, window_bounds = array<i64: 200, 128>}, {pipeline_mode = #tpu.pipeline_mode<synchronous>, transform_indices = @transform_3, window_bounds = array<i64: 1, 128>}, {pipeline_mode = #tpu.pipeline_mode<synchronous>, transform_indices = @transform_4, window_bounds = array<i64: 1, 128>}, {transform_indices = @transform_5, window_bounds = array<i64: 32, 200, 128>}]} {
    %get3A = arith.constant 0 : index
    %get3A_0 = arith.constant 0 : index
    %get3A_1 = arith.constant 0 : index
    %get3A_2 = vector.load %arg2[%get3A, %get3A_0, %get3A_1] : memref<32x200x128xf32, #tpu.memory_space<vmem>>, vector<32x200x128xf32>
    %get3A_3 = arith.constant 0 : index
    %get3A_4 = arith.constant 0 : index
    %get3A_5 = vector.load %arg3[%get3A_3, %get3A_4] : memref<200x128xf32, #tpu.memory_space<vmem>>, vector<200x128xf32>
    %broadcast_in_dim3A = vector.shape_cast %get3A_5 : vector<200x128xf32> to vector<1x200x128xf32>
    %add3A = vector.broadcast %broadcast_in_dim3A : vector<1x200x128xf32> to vector<32x200x128xf32>
    %add3A_6 = arith.addf %get3A_2, %add3A : vector<32x200x128xf32>
    %reduce_sum3A = arith.constant dense<0.000000e+00> : vector<32x200xf32>
    %reduce_sum3A_7 = vector.multi_reduction <add>, %add3A_6, %reduce_sum3A [2] : vector<32x200x128xf32> to vector<32x200xf32>
    %broadcast_in_dim3A_8 = vector.shape_cast %reduce_sum3A_7 : vector<32x200xf32> to vector<32x200x1xf32>
    %div3A = arith.constant 1.280000e+02 : f32
    %div3A_9 = vector.broadcast %div3A : f32 to vector<32x200x1xf32>
    %div3A_10 = arith.divf %broadcast_in_dim3A_8, %div3A_9 : vector<32x200x1xf32>
    %sub3A = vector.broadcast %div3A_10 : vector<32x200x1xf32> to vector<32x200x128xf32>
    %sub3A_11 = arith.subf %add3A_6, %sub3A : vector<32x200x128xf32>
    %mul3A = arith.mulf %sub3A_11, %sub3A_11 : vector<32x200x128xf32>
    %reduce_sum3A_12 = arith.constant dense<0.000000e+00> : vector<32x200xf32>
    %reduce_sum3A_13 = vector.multi_reduction <add>, %mul3A, %reduce_sum3A_12 [2] : vector<32x200x128xf32> to vector<32x200xf32>
    %broadcast_in_dim3A_14 = vector.shape_cast %reduce_sum3A_13 : vector<32x200xf32> to vector<32x200x1xf32>
    %div3A_15 = arith.constant 1.280000e+02 : f32
    %div3A_16 = vector.broadcast %div3A_15 : f32 to vector<32x200x1xf32>
    %div3A_17 = arith.divf %broadcast_in_dim3A_14, %div3A_16 : vector<32x200x1xf32>
    %add3A_18 = arith.constant 9.99999996E-13 : f32
    %add3A_19 = vector.broadcast %add3A_18 : f32 to vector<32x200x1xf32>
    %add3A_20 = arith.addf %div3A_17, %add3A_19 : vector<32x200x1xf32>
    %rsqrt3A = math.rsqrt %add3A_20 : vector<32x200x1xf32>
    %mul3A_21 = vector.broadcast %rsqrt3A : vector<32x200x1xf32> to vector<32x200x128xf32>
    %mul3A_22 = arith.mulf %sub3A_11, %mul3A_21 : vector<32x200x128xf32>
    %get3A_23 = arith.constant 0 : index
    %get3A_24 = arith.constant 0 : index
    %get3A_25 = vector.load %arg4[%get3A_23, %get3A_24] : memref<1x128xf32, #tpu.memory_space<vmem>>, vector<1x128xf32>
    %get3A_26 = vector.shape_cast %get3A_25 : vector<1x128xf32> to vector<128xf32>
    %broadcast_in_dim3A_27 = vector.shape_cast %get3A_26 : vector<128xf32> to vector<1x1x128xf32>
    %mul3A_28 = vector.broadcast %broadcast_in_dim3A_27 : vector<1x1x128xf32> to vector<32x200x128xf32>
    %mul3A_29 = arith.mulf %mul3A_22, %mul3A_28 : vector<32x200x128xf32>
    %get3A_30 = arith.constant 0 : index
    %get3A_31 = arith.constant 0 : index
    %get3A_32 = vector.load %arg5[%get3A_30, %get3A_31] : memref<1x128xf32, #tpu.memory_space<vmem>>, vector<1x128xf32>
    %get3A_33 = vector.shape_cast %get3A_32 : vector<1x128xf32> to vector<128xf32>
    %broadcast_in_dim3A_34 = vector.shape_cast %get3A_33 : vector<128xf32> to vector<1x1x128xf32>
    %add3A_35 = vector.broadcast %broadcast_in_dim3A_34 : vector<1x1x128xf32> to vector<32x200x128xf32>
    %add3A_36 = arith.addf %mul3A_29, %add3A_35 : vector<32x200x128xf32>
    %swap3A = arith.constant 0 : index
    %swap3A_37 = arith.constant 0 : index
    %swap3A_38 = arith.constant 0 : index
    %swap3A_39 = vector.load %arg6[%swap3A, %swap3A_37, %swap3A_38] : memref<32x200x128xf32, #tpu.memory_space<vmem>>, vector<32x200x128xf32>
    tpu.vector_store %arg6[%swap3A, %swap3A_37, %swap3A_38], %add3A_36 {strides = array<i32>} : memref<32x200x128xf32, #tpu.memory_space<vmem>>, vector<32x200x128xf32>,
    return
  }
  func.func @transform_1(%arg0: i32) -> (i32, i32, i32) {
    %c0_i32 = arith.constant 0 : i32
    %c0_i32_0 = arith.constant 0 : i32
    %c0_i32_1 = arith.constant 0 : i32
    return %arg0, %c0_i32, %c0_i32_0 : i32, i32, i32
  }
  func.func @transform_2(%arg0: i32) -> (i32, i32) {
    %c0_i32 = arith.constant 0 : i32
    %c0_i32_0 = arith.constant 0 : i32
    %c0_i32_1 = arith.constant 0 : i32
    return %c0_i32, %c0_i32_0 : i32, i32
  }
  func.func @transform_3(%arg0: i32) -> (i32, i32) {
    %c0_i32 = arith.constant 0 : i32
    %c0_i32_0 = arith.constant 0 : i32
    %c0_i32_1 = arith.constant 0 : i32
    return %c0_i32, %c0_i32_0 : i32, i32
  }
  func.func @transform_4(%arg0: i32) -> (i32, i32) {
    %c0_i32 = arith.constant 0 : i32
    %c0_i32_0 = arith.constant 0 : i32
    %c0_i32_1 = arith.constant 0 : i32
    return %c0_i32, %c0_i32_0 : i32, i32
  }
  func.func @transform_5(%arg0: i32) -> (i32, i32, i32) {
    %add3A = arith.constant 16 : i32
    %add3A_0 = arith.addi %arg0, %add3A : i32
    %c0_i32 = arith.constant 0 : i32
    %c0_i32_1 = arith.constant 0 : i32
    %c0_i32_2 = arith.constant 0 : i32
    return %add3A_0, %c0_i32, %c0_i32_1 : i32, i32, i32
  }
}

</mosaic_0001>

<sc_bundles>
// kernel: kernel.6.cloned.1.call-start
scs
__scs_entry_jumppad:
0x0: {  	(pc) =	sbr.rel $0x88, $3  }
0x1: {  	(tag) =	ssettag $0x0;
	lr =	simm.s32 $0x1  }
0x2: {  	[smem:$0x3F9C] =	sst lr;
	_ =	strace $0xD0000000  }
0x3: {  	_ = 	snop  }
0x4: {  	_ = 	snop  }
0x5: {  	_ = 	snop  }
0x6: {  	_ = 	snop  }
0x7: {  	_ = 	snop  }
__scs_overlays_trampoline_lowered:
0x8: {  	[smem:$0x3FAB] =	sst s0  }
0x9: {  	[smem:$0x3FAC] =	sst s1  }
0xa: {  	[smem:$0x3FAD] =	sst s2  }
0xb: {  	[smem:$0x3FAE] =	sst s3  }
0xc: {  	[smem:$0x3FAF] =	sst s4  }
0xd: {  	[smem:$0x3FB0] =	sst s5  }
0xe: {  	[smem:$0x3FB1] =	sst s6  }
0xf: {  	[smem:$0x3FB2] =	sst s7  }
0x10: {  	[smem:$0x3FB3] =	sst s8  }
0x11: {  	[smem:$0x3FB4] =	sst s9;
	s0 =	simm.s32 @!p0 $0x0  }
0x12: {  	s1 =	sld [smem:$0x3F9A];
	s0 =	simm.s32 @p0 $0x1  }
0x13: {  	[smem:$0x3FB5] =	sst s0;
	s0 =	simm.s32 @!p1 $0x0  }
0x14: {  	s2 =	sld [smem:$0x3F99];
	s0 =	simm.s32 @p1 $0x1  }
0x15: {  	[smem:$0x3FB6] =	sst s0;
	s0 =	simm.s32 @!p2 $0x0  }
0x16: {  	s3 =	sld [smem:$0x3FDB];
	s0 =	simm.s32 @p2 $0x1  }
0x17: {  	s4 =	simm.s32 $0x1BF5;
	[smem:$0x3FB8] =	sst s0  }
0x18: {  	s0 =	sld [smem:$0x3F9B];
	_ =	swait.ge [sflag:s4], $0x0  }
0x19: {  	s7 =	sld [smem:$0x3F9C]  }
0x1a: {  	s8 =	sadd.s32 $0xFFFFE003, lr  }
0x1b: {  	s9 =	sadd.s32 $0xFFFFFEF7, lr;
	s5 =	simm.s32 $0xFFFFFFFF;
	p2 =	slt.u32 s8, $0xFFFFF086  }
0x1c: {  	p1 =	slt.u32 s9, $0xF7A;
	s5 =	simm.s32 @!p2 $0x0  }
0x1d: {  	s5 =	simm.s32 @p1 $0x1;
	p0 =	seq.s32 s7, s2  }
0x1e: {  	s7 =	smul.u32 @!p0 $0xF7A, s2;
	p2 =	seq.s32 @!p0 s5, $0x0  }
0x1f: {  	s9 =	smul.u32 $0xF7A, s1;
	s8 =	simm.s32 @!p0 $0x1BF5;
	p2 =	por !p2, p0  }
0x20: {  	[sflag:s8] =	ssyncset.s32 @!p0 $0xFFFFF086;
	s6 =	sadd.s32 @!p0 s3, s7;
	s7 =	simm.s32 @!p0 $0x108  }
0x21: {  	s3 =	sadd.s32 s3, s9;
	s6 =	sadd.s32 @!p0 $0x88, s6;
	s7 =	simm.s32 @p2 $0x1082  }
0x22: {  	[simem:s7], [sflag:s8] =	dma.local @!p0 [hbm:s6], $0xF7A  }
0x23: {  	s9 =	sor.u32 $0xD0000000, s2;
	s6 =	simm.s32 $0x108;
	_ =	swait.ge @!p0 [sflag:s8], $0x0  }
0x24: {  	s3 =	sadd.s32 $0x88, s3;
	s6 =	simm.s32 @!p1 $0x1082;
	[sflag:s4] =	ssyncset.s32 $0xFFFFF086  }
0x25: {  	[simem:s6], [sflag:s4] =	dma.local [hbm:s3], $0xF7A  }
0x26: {  	[smem:$0x3F9C] =	sst s1;
	(tag) =	ssettag s2;
	_ =	strace s9  }
0x27: {  	s1 =	sld [smem:$0x3FAC]  }
0x28: {  	s2 =	sld [smem:$0x3FAD]  }
0x29: {  	s4 =	sld [smem:$0x3FAF]  }
0x2a: {  	p0 =	seq.s32 s5, $0x0;
	s5 =	sld [smem:$0x3FB0]  }
0x2b: {  	s6 =	sld [smem:$0x3FB1]  }
0x2c: {  	s7 =	sld [smem:$0x3FB2]  }
0x2d: {  	s3 =	simm.s32 $0x108;
	s8 =	sld [smem:$0x3FB3]  }
0x2e: {  	s3 =	simm.s32 @!p0 $0x1082;
	s9 =	sld [smem:$0x3FB4]  }
0x2f: {  	lr =	sadd.s32 s0, s3;
	s0 =	sld [smem:$0x3FAB]  }
0x30: {  	s3 =	sld [smem:$0x3FAE]  }
0x31: {  	[smem:$0x3FB7] =	sst s10  }
0x32: {  	s10 =	sld [smem:$0x3FB5];
	_ =	sdelay $0x3  }
0x33: {  	p0 =	seq.s32 s10, $0x1;
	s10 =	sld [smem:$0x3FB7];
	_ =	sdelay $0x3  }
0x34: {  	[smem:$0x3FB7] =	sst s10  }
0x35: {  	s10 =	sld [smem:$0x3FB6];
	_ =	sdelay $0x3  }
0x36: {  	p1 =	seq.s32 s10, $0x1;
	s10 =	sld [smem:$0x3FB7];
	_ =	sdelay $0x3  }
0x37: {  	[smem:$0x3FB7] =	sst s10  }
0x38: {  	s10 =	sld [smem:$0x3FB8]  }
0x39: {  	_ = 	snop;
	(pc) =	sbr.ind lr, $3  }
0x3a: {  	_ = 	snop  }
0x3b: {  	_ = 	snop  }
0x3c: {  	p2 =	seq.s32 s10, $0x1;
	s10 =	sld [smem:$0x3FB7]  }
0x3d: {  	_ =	shalt  }
0x3e: {  	_ =	shalt  }
0x3f: {  	_ =	shalt  }
0x40: {  	_ =	shalt  }
0x41: {  	_ =	shalt  }
0x42: {  	_ =	shalt  }
0x43: {  	_ =	shalt  }
0x44: {  	_ =	shalt  }
0x45: {  	_ =	shalt  }
0x46: {  	_ =	shalt  }
0x47: {  	_ =	shalt  }
0x48: {  	_ =	shalt  }
0x49: {  	_ =	shalt  }
0x4a: {  	_ =	shalt  }
0x4b: {  	_ =	shalt  }
0x4c: {  	_ =	shalt  }
0x4d: {  	_ =	shalt  }
0x4e: {  	_ =	shalt  }
0x4f: {  	_ =	shalt  }
0x50: {  	_ =	shalt  }
0x51: {  	_ =	shalt  }
0x52: {  	_ =	shalt  }
0x53: {  	_ =	shalt  }
0x54: {  	_ =	shalt  }
0x55: {  	_ =	shalt  }
0x56: {  	_ =	shalt  }
0x57: {  	_ =	shalt  }
0x58: {  	_ =	shalt  }
0x59: {  	_ =	shalt  }
0x5a: {  	_ =	shalt  }
0x5b: {  	_ =	shalt  }
0x5c: {  	_ =	shalt  }
0x5d: {  	_ =	shalt  }
0x5e: {  	_ =	shalt  }
0x5f: {  	_ =	shalt  }
0x60: {  	_ =	shalt  }
0x61: {  	_ =	shalt  }
0x62: {  	_ =	shalt  }
0x63: {  	_ =	shalt  }
0x64: {  	_ =	shalt  }
0x65: {  	_ =	shalt  }
0x66: {  	_ =	shalt  }
0x67: {  	_ =	shalt  }
0x68: {  	_ =	shalt  }
0x69: {  	_ =	shalt  }
0x6a: {  	_ =	shalt  }
0x6b: {  	_ =	shalt  }
0x6c: {  	_ =	shalt  }
0x6d: {  	_ =	shalt  }
0x6e: {  	_ =	shalt  }
0x6f: {  	_ =	shalt  }
0x70: {  	_ =	shalt  }
0x71: {  	_ =	shalt  }
0x72: {  	_ =	shalt  }
0x73: {  	_ =	shalt  }
0x74: {  	_ =	shalt  }
0x75: {  	_ =	shalt  }
0x76: {  	_ =	shalt  }
0x77: {  	_ =	shalt  }
0x78: {  	_ =	shalt  }
0x79: {  	_ =	shalt  }
0x7a: {  	_ =	shalt  }
0x7b: {  	_ =	shalt  }
0x7c: {  	_ =	shalt  }
0x7d: {  	_ =	shalt  }
0x7e: {  	_ =	shalt  }
0x7f: {  	_ =	shalt  }
0x80: {  	_ =	shalt  }
0x81: {  	_ =	shalt  }
0x82: {  	_ =	shalt  }
0x83: {  	_ =	shalt  }
0x84: {  	_ =	shalt  }
0x85: {  	_ =	shalt  }
0x86: {  	_ =	shalt  }
0x87: {  	_ =	shalt  }
.Lfunc_end0:
.L_simem_size_0:
called_computation_lowered:
.L_overlay_start_0:
0x88: {  	s2 =	sld [smem:$0x3FD9]  }
0x89: {  	s3 =	sld [smem:$0x3FFE];
	_ =	sdelay $0x1  }
0x8a: {  	s1 =	srdreg.scid  }
0x8b: {  	s0 =	sand.u32 $0x1, s1  }
0x8c: {  	s17 =	sshll.u32 s0, $0xA;
	s2 =	sadd.s32 s3, s2  }
0x8d: {  	s2 =	sadd.s32 s2, s17  }
0x8e: {  	[smem:$0x3FC3] =	sst s2  }
0x8f: {  	_ = 	snop  }
0x90: {  	s2 =	sld [smem:$0x3FC8]  }
0x91: {  	s18 =	sld [smem:$0x3FD0];
	(tm) =	ssettm $0x1  }
0x92: {  	s4 =	sld [smem:$0x3FFB];
	_ =	sdelay $0x3  }
0x93: {  	_ =	strace s4  }
0x94: {  	s4 =	sld [smem:$0x3FFC];
	_ =	sdelay $0x3  }
0x95: {  	_ =	strace s4  }
0x96: {  	s4 =	sld [smem:$0x3FFD];
	_ =	sdelay $0x3  }
0x97: {  	_ =	strace s4  }
0x98: {  	_ =	strace $0x8FFFFFFF  }
0x99: {  	s19 =	sld [smem:$0x3FDB];
	_ =	sdelay $0x1  }
0x9a: {  	s5 =	simm.s32 $_scs_section_size  }
0x9b: {  	s6 =	simm.s32 $_size__tile_overlayer_lowered;
	s7 =	simm.s32 $_tile_overlayer_lowered  }
0x9c: {  	s22 =	simm.s32 $0x1BFF;
	s21 =	sshll.u32 s7, $0x1;
	s4 =	sadd.s32 s5, s19  }
0x9d: {  	s8 =	simm.s32 $0x0;
	s20 =	sshll.u32 s6, $0x1;
	s6 =	sadd.s32 s21, s4  }
0x9e: {  	[timem:s8], [sflag:s22] =	dma.local [hbm:s6], s20  }
0x9f: {  	_ =	swait.ge [sflag:s22], s20  }
0xa0: {  	s5 =	ssub.s32 $0x0, s20;
	[sflag:s22] =	ssyncset.done $0x0  }
0xa1: {  	[sflag:s22] =	ssyncadd.s32 s5;
	_ =	sdelay $0x1  }
0xa2: {  	s23 =	simm.s32 $0x1B8B  }
0xa3: {  	_ =	swait.ge [sflag:s23], $0x1  }
0xa4: {  	[sflag:s23] =	ssyncset.done $0x0  }
0xa5: {  	s25 =	simm.s32 $0x1B8E;
	s24 =	sld [smem:$0x3FFE];
	[sflag:s23] =	ssyncadd.s32 $0xFFFFFFFF  }
0xa6: {  	s26 =	simm.s32 $execute0_lowered;
	[smem:$0x3FD2] =	sst s25  }
0xa7: {  	s6 =	sshll.u32 s26, $0x1;
	_ =	strace $0x80000046;
	[dreg:$0x1] =	wrdreg $0xFFFFFFFF  }
0xa8: {  	s28 =	simm.s32 $_size_execute0_lowered;
	s4 =	sadd.s32 s4, s6;
	[dreg:$0x0] =	wrdreg $0x0  }
0xa9: {  	s6 =	sshll.u32 s28, $0x1;
	[dreg:$0x2] =	wrdreg s4  }
0xaa: {  	[dreg:$0x3] =	wrdreg s6  }
0xab: {  	[dreg:$0x4] =	wrdreg $0xC0  }
0xac: {  	_ =	task [dreg:s8], $0x5FFFF  }
0xad: {  	[dreg:$0x1] =	wrdreg $0xFFFFFFFF  }
0xae: {  	[dreg:$0x0] =	wrdreg $0x60  }
0xaf: {  	[dreg:$0x2] =	wrdreg s18  }
0xb0: {  	[dreg:$0x3] =	wrdreg s2  }
0xb1: {  	[dreg:$0x4] =	wrdreg s24  }
0xb2: {  	[dreg:$0x5] =	wrdreg $0x9  }
0xb3: {  	_ =	task.clear_ibuf [dreg:s8], $0x6FFFF;
	_ =	strace $0x90000046  }
0xb4: {  	s29 =	simm.s32 $0x9;
	_ =	strace $0x80000048  }
0xb5: {  	_ =	swait.ge [sflag:s29], $0x1  }
0xb6: {  	[sflag:s29] =	ssyncadd.s32 $0xFFFFFFFF  }
0xb7: {  	_ =	strace $0x90000048  }
0xb8: {  	_ =	sfence  }
0xb9: {  	s30 =	sld [smem:$0x0];
	_ =	sdelay $0x2  }
0xba: {  	s31 =	sshll.u32 s1, $0xD;
	s1 =	sshrl.u32 s1, $0x2  }
0xbb: {  	s3 =	sand.u32 $0x4000, s31;
	s1 =	sadd.s32 s1, s30  }
0xbc: {  	s0 =	sor.u32 s3, s0;
	s1 =	sshll.u32 s1, $0x11  }
0xbd: {  	s0 =	sor.u32 s1, s0  }
0xbe: {  	s0 =	sadd.s32 $0x8F2B, s0  }
0xbf: {  	[sflag:s0] =	ssyncadd.remote.s32 $0x1  }
0xc0: {  	_ =	sfence.sel $0xFFFF  }
0xc1: {  	[dreg:$0x0] =	wrdreg $0xFFFFFFFF;
	(pc) =	sbr.abs _section_cstart, $3  }
0xc2: {  	[dreg:$0x1] =	wrdreg $0xFFFFFFFF  }
0xc3: {  	_ =	task.clear_ibuf [dreg:s8], $0x2FFFF;
	_ =	strace $0x9FFFFFFF  }
0xc4: {  	(tm) =	ssettm $0x7FFFFFFF  }
0xc5: {  	_ =	shalt  }
tec
execute0_lowered:
.L_overlay_start_1:
0x0: {  	(tag) =	ssettag $0x1  }
0x1: {  	s0 =	rddreg [dreg:$0x0]  }
0x2: {  	s2 =	rddreg [dreg:$0x1]  }
0x3: {  	s1 =	rddreg [dreg:$0x2]  }
0x4: {  	s4 =	srdreg.scid;
	s11 =	stileid.u32;
	s3 =	simm.s32 $0x0  }
0x5: {  	s13 =	simm.s32 $0x9000;
	s16 =	simm.s32 $0x1;
	s17 =	simm.s32 $0x11000  }
0x6: {  	s18 =	simm.s32 $0x2;
	s19 =	simm.s32 $0x4;
	s20 =	simm.s32 $0x6  }
0x7: {  	s21 =	simm.s32 $0x7;
	s22 =	simm.s32 $0x8;
	s23 =	simm.s32 $0x9  }
0x8: {  	s24 =	simm.s32 $0xA;
	s5 =	sand.u32 $0x1, s4;
	s8 =	smul.u32 $0xC8000, s11  }
0x9: {  	s25 =	sshll.u32 s11, $0x1;
	[smem:$0x7FF] =	sst s3;
	s29 =	smul.u32 $0x19000, s11  }
0xa: {  	s4 =	sadd.s32 $0xE00, s1;
	s6 =	sor.u32 s5, s25;
	s10 =	smul.u32 $0x64000, s5  }
0xb: {  	_ =	strace $0x80000047;
	s26 =	ssub.s32 $0x2, s5;
	s30 =	smul.u32 $0xC800, s5  }
0xc: {  	s7 =	smul.u32 $0xC800, s6;
	s9 =	sshrl.u32 s26, $0x1;
	s6 =	sshll.u32 s6, $0x9  }
0xd: {  	s25 =	simm.s32 $0x0;
	s1 =	ssub.s32 s26, s9;
	s0 =	sadd.s32 s0, s6  }
0xe: {  	s7 =	sadd.s32 s4, s7;
	[dreg:$0x7] =	wrdreg s0;
	s1 =	smax.u32 s1, $0x1  }
0xf: {  	s8 =	sadd.s32 s10, s8;
	s28 =	sadd.s32 $0xA800, s7;
	[dreg:$0x8] =	wrdreg s1  }
0x10: {  	s8 =	sadd.s32 $0x10000, s8;
	s7 =	sadd.s32 $0xB800, s7;
	[dreg:$0x4] =	wrdreg s28  }
0x11: {  	s9 =	simm.s32 $0x80;
	s31 =	sshrl.u32 s8, $0x3;
	[dreg:$0x5] =	wrdreg s7  }
0x12: {  	s10 =	simm.s32 $0x1000;
	s7 =	sadd.s32 s30, s29;
	[dreg:$0x6] =	wrdreg s31  }
.LBB2_1:
0x13: {  	s0 =	rddreg [dreg:$0x7];
	s6 =	simm.s32 $0xB  }
0x14: {  	[tilespmem:s3], [sflag:$0xB] =	stream.linear.gather [hbm4b:s0+s3], $0xC80, $0x38;
	[tilespmem:$0x15000] =	vst v63  }
0x15: {  	_ =	swait.ge [sflag:s6], $0xC80  }
0x16: {  	[sflag:s6] =	ssyncset.done $0x0  }
0x17: {  	[sflag:s6] =	ssyncadd.s32 $0xFFFFF380  }
0x18: {  	[tilespmem:s10], [sflag:$0x1] =	stream.indirect.gather [hbm4b:s2+s9], $0x80, s3, s9, $0xb8;
	[tilespmem:$0x15000] =	vst v63  }
0x19: {  	s8 =	simm.s32 $0x5000  }
0x1a: {  	[tilespmem:s8], [sflag:$0x2] =	stream.indirect.gather [hbm4b:s2+s9], $0x80, s9, s9, $0xb8;
	[tilespmem:$0x15000] =	vst v63  }
0x1b: {  	s11 =	simm.s32 $0x100  }
0x1c: {  	[tilespmem:s13], [sflag:$0x3] =	stream.indirect.gather [hbm4b:s2+s9], $0x80, s11, s9, $0xb8;
	[tilespmem:$0x15000] =	vst v63  }
0x1d: {  	s12 =	simm.s32 $0x180;
	s1 =	simm.s32 $0xD000  }
0x1e: {  	[tilespmem:s1], [sflag:$0x4] =	stream.indirect.gather [hbm4b:s2+s9], $0x80, s12, s9, $0xb8;
	[tilespmem:$0x15000] =	vst v63  }
0x1f: {  	_ =	swait.ge [sflag:s16], $0x4000  }
0x20: {  	p0 =	por $0x1, $0x1;
	[sflag:s16] =	ssyncset.done $0x0  }
0x21: {  	s0 =	simm.s32 @!p0 $0xA;
	[sflag:s16] =	ssyncadd.s32 $0xFFFFC000  }
0x22: {  	_ =	swait.ge @!p0 [sflag:s0], $0x4000  }
0x23: {  	[sflag:s0] =	ssyncset.done @!p0 $0x0  }
0x24: {  	s14 =	simm.s32 $0x200;
	[sflag:s0] =	ssyncadd.s32 @!p0 $0xFFFFC000  }
0x25: {  	[tilespmem:s17], [sflag:$0x5] =	stream.indirect.gather [hbm4b:s2+s9], $0x80, s14, s9, $0xb8;
	[tilespmem:$0x15000] =	vst v63  }
0x26: {  	s15 =	sadd.s32 s4, s7  }
0x27: {  	[hbm4b:s15+s3] =	stream.linear.scatter [tilespmem:s10], [sflag:$0x6], $0x4000, $0x38;
	[tilespmem:$0x15000] =	vst v63  }
0x28: {  	p0 =	por $0x0, $0x0;
	_ =	swait.ge [sflag:s18], $0x4000  }
0x29: {  	s26 =	simm.s32 @p0 $0x0;
	s28 =	simm.s32 @p0 $0x5000;
	[sflag:s18] =	ssyncset.done $0x0  }
0x2a: {  	s29 =	simm.s32 @p0 $0x3;
	s1 =	rddreg [dreg:$0x4];
	[sflag:s18] =	ssyncadd.s32 $0xFFFFC000  }
0x2b: {  	[hbm4b:s1+s26] =	stream.linear.scatter @p0 [tilespmem:s28], [sflag:$0x7], $0x4000, $0x38;
	[tilespmem:$0x15000] =	vst v63  }
0x2c: {  	_ =	swait.ge @p0 [sflag:s29], $0x4000  }
0x2d: {  	[sflag:s29] =	ssyncset.done @p0 $0x0  }
0x2e: {  	s1 =	simm.s32 @!p0 $0x6;
	[sflag:s29] =	ssyncadd.s32 @p0 $0xFFFFC000  }
0x2f: {  	_ =	swait.ge @!p0 [sflag:s1], $0x4000  }
0x30: {  	s30 =	simm.s32 @!p0 $0x80;
	s31 =	simm.s32 @!p0 $0x1000;
	[sflag:s1] =	ssyncset.done @!p0 $0x0  }
0x31: {  	s28 =	sadd.s32 @!p0 s4, s7;
	s29 =	simm.s32 @!p0 $0x280;
	[sflag:s1] =	ssyncadd.s32 @!p0 $0xFFFFC000  }
0x32: {  	[tilespmem:s31], [sflag:$0x1] =	stream.indirect.gather @!p0 [hbm4b:s2+s30], $0x80, s29, s30, $0xb8;
	[tilespmem:$0x15000] =	vst v63  }
0x33: {  	s1 =	sadd.s32 @!p0 $0x800, s28;
	s29 =	simm.s32 @!p0 $0x0;
	s31 =	simm.s32 @!p0 $0x5000  }
0x34: {  	[hbm4b:s1+s29] =	stream.linear.scatter @!p0 [tilespmem:s31], [sflag:$0x7], $0x4000, $0x38;
	[tilespmem:$0x15000] =	vst v63  }
0x35: {  	s1 =	simm.s32 @!p0 $0x3  }
0x36: {  	_ =	swait.ge @!p0 [sflag:s1], $0x4000  }
0x37: {  	[sflag:s1] =	ssyncset.done @!p0 $0x0  }
0x38: {  	[sflag:s1] =	ssyncadd.s32 @!p0 $0xFFFFC000;
	s1 =	simm.s32 @!p0 $0x7  }
0x39: {  	_ =	swait.ge @!p0 [sflag:s1], $0x4000  }
0x3a: {  	[sflag:s1] =	ssyncset.done @!p0 $0x0  }
0x3b: {  	[sflag:s1] =	ssyncadd.s32 @!p0 $0xFFFFC000;
	s1 =	simm.s32 @!p0 $0x300  }
0x3c: {  	[tilespmem:s31], [sflag:$0x2] =	stream.indirect.gather @!p0 [hbm4b:s2+s30], $0x80, s1, s30, $0xb8;
	[tilespmem:$0x15000] =	vst v63  }
0x3d: {  	s0 =	sadd.s32 $0x1000, s15  }
0x3e: {  	[hbm4b:s0+s3] =	stream.linear.scatter [tilespmem:s13], [sflag:$0x8], $0x4000, $0x38;
	[tilespmem:$0x15000] =	vst v63  }
0x3f: {  	_ =	swait.ge [sflag:s19], $0x4000  }
0x40: {  	[sflag:s19] =	ssyncset.done $0x0  }
0x41: {  	s1 =	simm.s32 @p0 $0xD000;
	s0 =	rddreg [dreg:$0x5];
	[sflag:s19] =	ssyncadd.s32 $0xFFFFC000  }
0x42: {  	[hbm4b:s0+s26] =	stream.linear.scatter @p0 [tilespmem:s1], [sflag:$0x9], $0x4000, $0x38;
	[tilespmem:$0x15000] =	vst v63  }
0x43: {  	s0 =	simm.s32 @p0 $0x5  }
0x44: {  	_ =	swait.ge @p0 [sflag:s0], $0x4000  }
0x45: {  	[sflag:s0] =	ssyncset.done @p0 $0x0  }
0x46: {  	s1 =	simm.s32 @!p0 $0x8;
	[sflag:s0] =	ssyncadd.s32 @p0 $0xFFFFC000  }
0x47: {  	_ =	swait.ge @!p0 [sflag:s1], $0x4000  }
0x48: {  	[sflag:s1] =	ssyncset.done @!p0 $0x0  }
0x49: {  	s0 =	simm.s32 @!p0 $0x380;
	[sflag:s1] =	ssyncadd.s32 @!p0 $0xFFFFC000;
	s1 =	simm.s32 @!p0 $0x9000  }
0x4a: {  	[tilespmem:s1], [sflag:$0x3] =	stream.indirect.gather @!p0 [hbm4b:s2+s30], $0x80, s0, s30, $0xb8;
	[tilespmem:$0x15000] =	vst v63  }
0x4b: {  	s0 =	sadd.s32 @!p0 $0x1800, s28;
	s1 =	simm.s32 @!p0 $0xD000  }
0x4c: {  	[hbm4b:s0+s29] =	stream.linear.scatter @!p0 [tilespmem:s1], [sflag:$0x9], $0x4000, $0x38;
	[tilespmem:$0x15000] =	vst v63  }
0x4d: {  	s0 =	simm.s32 @!p0 $0x5  }
0x4e: {  	_ =	swait.ge @!p0 [sflag:s0], $0x4000  }
0x4f: {  	[sflag:s0] =	ssyncset.done @!p0 $0x0  }
0x50: {  	[sflag:s0] =	ssyncadd.s32 @!p0 $0xFFFFC000;
	s0 =	simm.s32 @!p0 $0x9  }
0x51: {  	_ =	swait.ge @!p0 [sflag:s0], $0x4000  }
0x52: {  	[sflag:s0] =	ssyncset.done @!p0 $0x0  }
0x53: {  	[sflag:s0] =	ssyncadd.s32 @!p0 $0xFFFFC000;
	s0 =	simm.s32 @!p0 $0x400  }
0x54: {  	[tilespmem:s1], [sflag:$0x4] =	stream.indirect.gather @!p0 [hbm4b:s2+s30], $0x80, s0, s30, $0xb8;
	[tilespmem:$0x15000] =	vst v63  }
0x55: {  	s26 =	simm.s32 $0xA00;
	s28 =	smov.u32 s4;
	s0 =	rddreg [dreg:$0x6]  }
.LBB2_2:
0x56: {  	s0 =	sadd.s32 s28, s0  }
0x57: {  	[hbm4b:s0+s3] =	stream.linear.scatter [tilespmem:s17], [sflag:$0xA], $0x4000, $0x38;
	[tilespmem:$0x15000] =	vst v63  }
0x58: {  	s1 =	smov.u32 s26;
	_ =	swait.ge [sflag:s16], $0x4000  }
0x59: {  	p1 =	seq.s32 s1, $0x0;
	[sflag:s16] =	ssyncset.done $0x0  }
0x5a: {  	s0 =	simm.s32 @!p1 $0xA;
	[sflag:s16] =	ssyncadd.s32 $0xFFFFC000  }
0x5b: {  	_ =	swait.ge @!p1 [sflag:s0], $0x4000  }
0x5c: {  	s29 =	sshra.s32 s1, $0x2;
	[sflag:s0] =	ssyncset.done @!p1 $0x0  }
0x5d: {  	s28 =	sadd.s32 $0x2800, s28;
	s29 =	sadd.s32 $0x200, s29;
	[sflag:s0] =	ssyncadd.s32 @!p1 $0xFFFFC000  }
0x5e: {  	[tilespmem:s17], [sflag:$0x5] =	stream.indirect.gather [hbm4b:s2+s9], $0x80, s29, s9, $0xb8;
	[tilespmem:$0x15000] =	vst v63  }
0x5f: {  	s11 =	sadd.s32 s28, s7  }
0x60: {  	[hbm4b:s11+s3] =	stream.linear.scatter [tilespmem:s10], [sflag:$0x6], $0x4000, $0x38;
	[tilespmem:$0x15000] =	vst v63  }
0x61: {  	p1 =	seq.s32 s1, $0x2800;
	_ =	swait.ge [sflag:s18], $0x4000  }
0x62: {  	s0 =	simm.s32 @p1 $0x0;
	s30 =	simm.s32 @p1 $0x5000;
	[sflag:s18] =	ssyncset.done $0x0  }
0x63: {  	s31 =	simm.s32 @p1 $0x3;
	s29 =	rddreg [dreg:$0x4];
	[sflag:s18] =	ssyncadd.s32 $0xFFFFC000  }
0x64: {  	[hbm4b:s29+s0] =	stream.linear.scatter @p1 [tilespmem:s30], [sflag:$0x7], $0x4000, $0x38;
	[tilespmem:$0x15000] =	vst v63  }
0x65: {  	s12 =	sshra.s32 @!p1 s1, $0x2;
	_ =	swait.ge @p1 [sflag:s31], $0x4000  }
0x66: {  	s14 =	sadd.s32 @!p1 s28, s7;
	s6 =	simm.s32 @!p1 $0x6;
	[sflag:s31] =	ssyncset.done @p1 $0x0  }
0x67: {  	s15 =	sadd.s32 @!p1 $0x280, s12;
	s5 =	sadd.s32 @!p1 $0x800, s14;
	[sflag:s31] =	ssyncadd.s32 @p1 $0xFFFFC000  }
0x68: {  	s8 =	sadd.s32 @!p1 $0x300, s12;
	s1 =	sadd.s32 @!p1 $0x380, s12;
	_ =	swait.ge @!p1 [sflag:s6], $0x4000  }
0x69: {  	s29 =	sadd.s32 @!p1 $0x400, s12;
	s30 =	simm.s32 @!p1 $0x80;
	[sflag:s6] =	ssyncset.done @!p1 $0x0  }
0x6a: {  	s12 =	simm.s32 @!p1 $0x1000;
	s31 =	sadd.s32 @!p1 $0x1800, s14;
	[sflag:s6] =	ssyncadd.s32 @!p1 $0xFFFFC000  }
0x6b: {  	[tilespmem:s12], [sflag:$0x1] =	stream.indirect.gather @!p1 [hbm4b:s2+s30], $0x80, s15, s30, $0xb8;
	[tilespmem:$0x15000] =	vst v63  }
0x6c: {  	s14 =	simm.s32 @!p1 $0x5000;
	s6 =	simm.s32 @!p1 $0x0;
	s12 =	simm.s32 @!p1 $0x3  }
0x6d: {  	[hbm4b:s5+s6] =	stream.linear.scatter @!p1 [tilespmem:s14], [sflag:$0x7], $0x4000, $0x38;
	[tilespmem:$0x15000] =	vst v63  }
0x6e: {  	_ =	swait.ge @!p1 [sflag:s12], $0x4000  }
0x6f: {  	[sflag:s12] =	ssyncset.done @!p1 $0x0  }
0x70: {  	s5 =	simm.s32 @!p1 $0x7;
	[sflag:s12] =	ssyncadd.s32 @!p1 $0xFFFFC000  }
0x71: {  	_ =	swait.ge @!p1 [sflag:s5], $0x4000  }
0x72: {  	[sflag:s5] =	ssyncset.done @!p1 $0x0  }
0x73: {  	[sflag:s5] =	ssyncadd.s32 @!p1 $0xFFFFC000  }
0x74: {  	[tilespmem:s14], [sflag:$0x2] =	stream.indirect.gather @!p1 [hbm4b:s2+s30], $0x80, s8, s30, $0xb8;
	[tilespmem:$0x15000] =	vst v63  }
0x75: {  	s15 =	sadd.s32 $0x1000, s11  }
0x76: {  	[hbm4b:s15+s3] =	stream.linear.scatter [tilespmem:s13], [sflag:$0x8], $0x4000, $0x38;
	[tilespmem:$0x15000] =	vst v63  }
0x77: {  	_ =	swait.ge [sflag:s19], $0x4000  }
0x78: {  	s11 =	simm.s32 @p1 $0x5;
	[sflag:s19] =	ssyncset.done $0x0  }
0x79: {  	s8 =	simm.s32 @p1 $0xD000;
	s5 =	rddreg [dreg:$0x5];
	[sflag:s19] =	ssyncadd.s32 $0xFFFFC000  }
0x7a: {  	[hbm4b:s5+s0] =	stream.linear.scatter @p1 [tilespmem:s8], [sflag:$0x9], $0x4000, $0x38;
	[tilespmem:$0x15000] =	vst v63  }
0x7b: {  	_ =	swait.ge @p1 [sflag:s11], $0x4000  }
0x7c: {  	[sflag:s11] =	ssyncset.done @p1 $0x0  }
0x7d: {  	s0 =	simm.s32 @!p1 $0x8;
	[sflag:s11] =	ssyncadd.s32 @p1 $0xFFFFC000  }
0x7e: {  	_ =	swait.ge @!p1 [sflag:s0], $0x4000  }
0x7f: {  	[sflag:s0] =	ssyncset.done @!p1 $0x0  }
0x80: {  	s5 =	simm.s32 @!p1 $0x9000;
	[sflag:s0] =	ssyncadd.s32 @!p1 $0xFFFFC000  }
0x81: {  	[tilespmem:s5], [sflag:$0x3] =	stream.indirect.gather @!p1 [hbm4b:s2+s30], $0x80, s1, s30, $0xb8;
	[tilespmem:$0x15000] =	vst v63  }
0x82: {  	s8 =	simm.s32 @!p1 $0xD000;
	s0 =	simm.s32 @!p1 $0x5  }
0x83: {  	[hbm4b:s31+s6] =	stream.linear.scatter @!p1 [tilespmem:s8], [sflag:$0x9], $0x4000, $0x38;
	[tilespmem:$0x15000] =	vst v63  }
0x84: {  	s26 =	sadd.s32 $0xA00, s26;
	_ =	swait.ge @!p1 [sflag:s0], $0x4000  }
0x85: {  	p0 =	sne.s32 s26, $0x3200;
	[sflag:s0] =	ssyncset.done @!p1 $0x0  }
.Ltmp0:
0x86: {  	s1 =	simm.s32 @!p1 $0x9;
	[sflag:s0] =	ssyncadd.s32 @!p1 $0xFFFFC000;
	(pc) =	sbr.rel @p0 .LBB2_2-.Ltmp0, $4  }
0x87: {  	_ =	swait.ge @!p1 [sflag:s1], $0x4000  }
0x88: {  	[sflag:s1] =	ssyncset.done @!p1 $0x0  }
0x89: {  	s0 =	rddreg [dreg:$0x6];
	[sflag:s1] =	ssyncadd.s32 @!p1 $0xFFFFC000  }
0x8a: {  	[tilespmem:s8], [sflag:$0x4] =	stream.indirect.gather @!p1 [hbm4b:s2+s30], $0x80, s29, s30, $0xb8;
	[tilespmem:$0x15000] =	vst v63  }
0x8b: {  	s0 =	sadd.s32 s28, s0  }
0x8c: {  	[hbm4b:s0+s3] =	stream.linear.scatter [tilespmem:s17], [sflag:$0xA], $0x4000, $0x38;
	[tilespmem:$0x15000] =	vst v63  }
0x8d: {  	_ =	swait.ge [sflag:s20], $0x4000  }
0x8e: {  	[sflag:s20] =	ssyncset.done $0x0  }
0x8f: {  	[sflag:s20] =	ssyncadd.s32 $0xFFFFC000  }
0x90: {  	_ =	swait.ge [sflag:s21], $0x4000  }
0x91: {  	[sflag:s21] =	ssyncset.done $0x0  }
0x92: {  	[sflag:s21] =	ssyncadd.s32 $0xFFFFC000  }
0x93: {  	_ =	swait.ge [sflag:s22], $0x4000  }
0x94: {  	[sflag:s22] =	ssyncset.done $0x0  }
0x95: {  	[sflag:s22] =	ssyncadd.s32 $0xFFFFC000  }
0x96: {  	_ =	swait.ge [sflag:s23], $0x4000  }
0x97: {  	[sflag:s23] =	ssyncset.done $0x0  }
0x98: {  	[sflag:s23] =	ssyncadd.s32 $0xFFFFC000  }
0x99: {  	_ =	swait.ge [sflag:s24], $0x4000  }
0x9a: {  	s25 =	sadd.s32 $0x1, s25;
	s31 =	rddreg [dreg:$0x8]  }
0x9b: {  	p0 =	sne.s32 s25, s31  }
.Ltmp1:
0x9c: {  	_ = 	snop;
	(pc) =	sbr.rel @p0 .LBB2_1-.Ltmp1, $3  }
0x9d: {  	_ =	sdelay $0x1  }
0x9e: {  	[sflag:s24] =	ssyncset.done $0x0  }
0x9f: {  	[sflag:s24] =	ssyncadd.s32 $0xFFFFC000  }
0xa0: {  	_ =	sfence.sel $0x180000  }
0xa1: {  	[bflag:$0x0] =	sbarrier.arrive $0xFFFF  }
0xa2: {  	_ =	strace $0x90000047  }
0xa3: {  	s0 =	stileid.u32;
	[bflag:$0x2] =	sbarrier.arrive $0xFFFF  }
0xa4: {  	p0 =	sne.s32 s0, $0x0;
	s0 =	rddreg [dreg:$0x3]  }
0xa5: {  	s0 =	sadd.s32 @!p0 $0x100000, s0  }
0xa6: {  	[sflag:s0] =	ssyncadd.tile.s32 @!p0 $0x1;
	_ =	shalt  }
.Lfunc_end2:
_tile_overlayer_lowered:
.L_overlay_start_2:
0xa7: {  	(tag) =	ssettag $0x2  }
0xa8: {  	s0 =	rddreg [dreg:$0x0];
	s2 =	stileid.u32  }
0xa9: {  	s1 =	rddreg [dreg:$0x1];
	p0 =	sne.s32 s2, $0x0  }
0xaa: {  	s3 =	rddreg [dreg:$0x2];
	[bflag:$0x3] =	sbarrier.arrive $0xFFFF;
	s2 =	simm.s32 @!p0 $0x1C0B  }
0xab: {  	[timem:s3], [sflag:s2] =	dma.local @!p0 [hbm:s0], s1  }
0xac: {  	s0 =	simm.s32 @!p0 $0xB  }
0xad: {  	_ =	swait.ge @!p0 [sflag:s0], s1  }
0xae: {  	s1 =	ssub.s32 @!p0 $0x0, s1;
	[sflag:s0] =	ssyncset.done @!p0 $0x0  }
0xaf: {  	[sflag:s0] =	ssyncadd.s32 @!p0 s1  }
0xb0: {  	[bflag:$0x3] =	sbarrier.arrive $0xFFFF  }
0xb1: {  	_ =	shalt  }

// kernel: kernel.9.cloned.1.call-start
scs
__scs_entry_jumppad:
0x0: {  	(pc) =	sbr.rel $0x88, $3  }
0x1: {  	(tag) =	ssettag $0x0;
	lr =	simm.s32 $0x1  }
0x2: {  	[smem:$0x3F9C] =	sst lr;
	_ =	strace $0xD0000000  }
0x3: {  	_ = 	snop  }
0x4: {  	_ = 	snop  }
0x5: {  	_ = 	snop  }
0x6: {  	_ = 	snop  }
0x7: {  	_ = 	snop  }
__scs_overlays_trampoline_lowered:
0x8: {  	[smem:$0x3FAB] =	sst s0  }
0x9: {  	[smem:$0x3FAC] =	sst s1  }
0xa: {  	[smem:$0x3FAD] =	sst s2  }
0xb: {  	[smem:$0x3FAE] =	sst s3  }
0xc: {  	[smem:$0x3FAF] =	sst s4  }
0xd: {  	[smem:$0x3FB0] =	sst s5  }
0xe: {  	[smem:$0x3FB1] =	sst s6  }
0xf: {  	[smem:$0x3FB2] =	sst s7  }
0x10: {  	[smem:$0x3FB3] =	sst s8  }
0x11: {  	[smem:$0x3FB4] =	sst s9;
	s0 =	simm.s32 @!p0 $0x0  }
0x12: {  	s1 =	sld [smem:$0x3F9A];
	s0 =	simm.s32 @p0 $0x1  }
0x13: {  	[smem:$0x3FB5] =	sst s0;
	s0 =	simm.s32 @!p1 $0x0  }
0x14: {  	s2 =	sld [smem:$0x3F99];
	s0 =	simm.s32 @p1 $0x1  }
0x15: {  	[smem:$0x3FB6] =	sst s0;
	s0 =	simm.s32 @!p2 $0x0  }
0x16: {  	s3 =	sld [smem:$0x3FDB];
	s0 =	simm.s32 @p2 $0x1  }
0x17: {  	s4 =	simm.s32 $0x1BF5;
	[smem:$0x3FB8] =	sst s0  }
0x18: {  	s0 =	sld [smem:$0x3F9B];
	_ =	swait.ge [sflag:s4], $0x0  }
0x19: {  	s7 =	sld [smem:$0x3F9C]  }
0x1a: {  	s8 =	sadd.s32 $0xFFFFE003, lr  }
0x1b: {  	s9 =	sadd.s32 $0xFFFFFEF7, lr;
	s5 =	simm.s32 $0xFFFFFFFF;
	p2 =	slt.u32 s8, $0xFFFFF086  }
0x1c: {  	p1 =	slt.u32 s9, $0xF7A;
	s5 =	simm.s32 @!p2 $0x0  }
0x1d: {  	s5 =	simm.s32 @p1 $0x1;
	p0 =	seq.s32 s7, s2  }
0x1e: {  	s7 =	smul.u32 @!p0 $0xF7A, s2;
	p2 =	seq.s32 @!p0 s5, $0x0  }
0x1f: {  	s9 =	smul.u32 $0xF7A, s1;
	s8 =	simm.s32 @!p0 $0x1BF5;
	p2 =	por !p2, p0  }
0x20: {  	[sflag:s8] =	ssyncset.s32 @!p0 $0xFFFFF086;
	s6 =	sadd.s32 @!p0 s3, s7;
	s7 =	simm.s32 @!p0 $0x108  }
0x21: {  	s3 =	sadd.s32 s3, s9;
	s6 =	sadd.s32 @!p0 $0x88, s6;
	s7 =	simm.s32 @p2 $0x1082  }
0x22: {  	[simem:s7], [sflag:s8] =	dma.local @!p0 [hbm:s6], $0xF7A  }
0x23: {  	s9 =	sor.u32 $0xD0000000, s2;
	s6 =	simm.s32 $0x108;
	_ =	swait.ge @!p0 [sflag:s8], $0x0  }
0x24: {  	s3 =	sadd.s32 $0x88, s3;
	s6 =	simm.s32 @!p1 $0x1082;
	[sflag:s4] =	ssyncset.s32 $0xFFFFF086  }
0x25: {  	[simem:s6], [sflag:s4] =	dma.local [hbm:s3], $0xF7A  }
0x26: {  	[smem:$0x3F9C] =	sst s1;
	(tag) =	ssettag s2;
	_ =	strace s9  }
0x27: {  	s1 =	sld [smem:$0x3FAC]  }
0x28: {  	s2 =	sld [smem:$0x3FAD]  }
0x29: {  	s4 =	sld [smem:$0x3FAF]  }
0x2a: {  	p0 =	seq.s32 s5, $0x0;
	s5 =	sld [smem:$0x3FB0]  }
0x2b: {  	s6 =	sld [smem:$0x3FB1]  }
0x2c: {  	s7 =	sld [smem:$0x3FB2]  }
0x2d: {  	s3 =	simm.s32 $0x108;
	s8 =	sld [smem:$0x3FB3]  }
0x2e: {  	s3 =	simm.s32 @!p0 $0x1082;
	s9 =	sld [smem:$0x3FB4]  }
0x2f: {  	lr =	sadd.s32 s0, s3;
	s0 =	sld [smem:$0x3FAB]  }
0x30: {  	s3 =	sld [smem:$0x3FAE]  }
0x31: {  	[smem:$0x3FB7] =	sst s10  }
0x32: {  	s10 =	sld [smem:$0x3FB5];
	_ =	sdelay $0x3  }
0x33: {  	p0 =	seq.s32 s10, $0x1;
	s10 =	sld [smem:$0x3FB7];
	_ =	sdelay $0x3  }
0x34: {  	[smem:$0x3FB7] =	sst s10  }
0x35: {  	s10 =	sld [smem:$0x3FB6];
	_ =	sdelay $0x3  }
0x36: {  	p1 =	seq.s32 s10, $0x1;
	s10 =	sld [smem:$0x3FB7];
	_ =	sdelay $0x3  }
0x37: {  	[smem:$0x3FB7] =	sst s10  }
0x38: {  	s10 =	sld [smem:$0x3FB8]  }
0x39: {  	_ = 	snop;
	(pc) =	sbr.ind lr, $3  }
0x3a: {  	_ = 	snop  }
0x3b: {  	_ = 	snop  }
0x3c: {  	p2 =	seq.s32 s10, $0x1;
	s10 =	sld [smem:$0x3FB7]  }
0x3d: {  	_ =	shalt  }
0x3e: {  	_ =	shalt  }
0x3f: {  	_ =	shalt  }
0x40: {  	_ =	shalt  }
0x41: {  	_ =	shalt  }
0x42: {  	_ =	shalt  }
0x43: {  	_ =	shalt  }
0x44: {  	_ =	shalt  }
0x45: {  	_ =	shalt  }
0x46: {  	_ =	shalt  }
0x47: {  	_ =	shalt  }
0x48: {  	_ =	shalt  }
0x49: {  	_ =	shalt  }
0x4a: {  	_ =	shalt  }
0x4b: {  	_ =	shalt  }
0x4c: {  	_ =	shalt  }
0x4d: {  	_ =	shalt  }
0x4e: {  	_ =	shalt  }
0x4f: {  	_ =	shalt  }
0x50: {  	_ =	shalt  }
0x51: {  	_ =	shalt  }
0x52: {  	_ =	shalt  }
0x53: {  	_ =	shalt  }
0x54: {  	_ =	shalt  }
0x55: {  	_ =	shalt  }
0x56: {  	_ =	shalt  }
0x57: {  	_ =	shalt  }
0x58: {  	_ =	shalt  }
0x59: {  	_ =	shalt  }
0x5a: {  	_ =	shalt  }
0x5b: {  	_ =	shalt  }
0x5c: {  	_ =	shalt  }
0x5d: {  	_ =	shalt  }
0x5e: {  	_ =	shalt  }
0x5f: {  	_ =	shalt  }
0x60: {  	_ =	shalt  }
0x61: {  	_ =	shalt  }
0x62: {  	_ =	shalt  }
0x63: {  	_ =	shalt  }
0x64: {  	_ =	shalt  }
0x65: {  	_ =	shalt  }
0x66: {  	_ =	shalt  }
0x67: {  	_ =	shalt  }
0x68: {  	_ =	shalt  }
0x69: {  	_ =	shalt  }
0x6a: {  	_ =	shalt  }
0x6b: {  	_ =	shalt  }
0x6c: {  	_ =	shalt  }
0x6d: {  	_ =	shalt  }
0x6e: {  	_ =	shalt  }
0x6f: {  	_ =	shalt  }
0x70: {  	_ =	shalt  }
0x71: {  	_ =	shalt  }
0x72: {  	_ =	shalt  }
0x73: {  	_ =	shalt  }
0x74: {  	_ =	shalt  }
0x75: {  	_ =	shalt  }
0x76: {  	_ =	shalt  }
0x77: {  	_ =	shalt  }
0x78: {  	_ =	shalt  }
0x79: {  	_ =	shalt  }
0x7a: {  	_ =	shalt  }
0x7b: {  	_ =	shalt  }
0x7c: {  	_ =	shalt  }
0x7d: {  	_ =	shalt  }
0x7e: {  	_ =	shalt  }
0x7f: {  	_ =	shalt  }
0x80: {  	_ =	shalt  }
0x81: {  	_ =	shalt  }
0x82: {  	_ =	shalt  }
0x83: {  	_ =	shalt  }
0x84: {  	_ =	shalt  }
0x85: {  	_ =	shalt  }
0x86: {  	_ =	shalt  }
0x87: {  	_ =	shalt  }
.Lfunc_end0:
.L_simem_size_0:
called_computation.1_lowered:
.L_overlay_start_0:
0x88: {  	s2 =	sld [smem:$0x3FD9]  }
0x89: {  	s3 =	sld [smem:$0x3FFE];
	_ =	sdelay $0x1  }
0x8a: {  	s1 =	srdreg.scid  }
0x8b: {  	s0 =	sand.u32 $0x1, s1  }
0x8c: {  	s17 =	sshll.u32 s0, $0xA;
	s2 =	sadd.s32 s3, s2  }
0x8d: {  	s2 =	sadd.s32 s2, s17  }
0x8e: {  	[smem:$0x3FC3] =	sst s2  }
0x8f: {  	_ = 	snop  }
0x90: {  	s18 =	sld [smem:$0x3FC8];
	(tm) =	ssettm $0x1  }
0x91: {  	s19 =	sld [smem:$0x3FFB];
	_ =	sdelay $0x3  }
0x92: {  	_ =	strace s19  }
0x93: {  	s2 =	sld [smem:$0x3FFC];
	_ =	sdelay $0x3  }
0x94: {  	_ =	strace s2  }
0x95: {  	s2 =	sld [smem:$0x3FFD];
	_ =	sdelay $0x3  }
0x96: {  	_ =	strace s2  }
0x97: {  	_ =	strace $0x8FFFFFFF  }
0x98: {  	s20 =	sld [smem:$0x3FDB];
	_ =	sdelay $0x1  }
0x99: {  	s4 =	simm.s32 $_scs_section_size  }
0x9a: {  	s5 =	simm.s32 $_size__tile_overlayer_lowered;
	s6 =	simm.s32 $_tile_overlayer_lowered  }
0x9b: {  	s7 =	simm.s32 $0x1BFF;
	s21 =	sshll.u32 s6, $0x1;
	s4 =	sadd.s32 s4, s20  }
0x9c: {  	s22 =	simm.s32 $0x0;
	s5 =	sshll.u32 s5, $0x1;
	s6 =	sadd.s32 s21, s4  }
0x9d: {  	[timem:s22], [sflag:s7] =	dma.local [hbm:s6], s5  }
0x9e: {  	_ =	swait.ge [sflag:s7], s5  }
0x9f: {  	s5 =	ssub.s32 $0x0, s5;
	[sflag:s7] =	ssyncset.done $0x0  }
0xa0: {  	[sflag:s7] =	ssyncadd.s32 s5;
	_ =	sdelay $0x1  }
0xa1: {  	s23 =	simm.s32 $0x1B8B  }
0xa2: {  	_ =	swait.ge [sflag:s23], $0x1  }
0xa3: {  	[sflag:s23] =	ssyncset.done $0x0  }
0xa4: {  	[sflag:s23] =	ssyncadd.s32 $0xFFFFFFFF  }
0xa5: {  	s5 =	sld [smem:$0x0]  }
0xa6: {  	s6 =	sand.u32 $0xFFFFFFFE, s1  }
0xa7: {  	p0 =	sne.s32 s1, s6  }
0xa8: {  	s6 =	sshll.u32 @p0 s6, $0xE  }
0xa9: {  	s6 =	sadd.s32 @p0 $0x11B8D, s6;
	s7 =	sshll.u32 @p0 s5, $0x11  }
0xaa: {  	s6 =	sor.u32 @p0 s7, s6  }
0xab: {  	[sflag:s6] =	ssyncadd.remote.s32 @p0 $0x1;
	_ =	sdelay $0x1  }
0xac: {  	s6 =	simm.s32 @p0 $0x1B8D  }
0xad: {  	_ =	swait.eq @p0 [sflag:s6], $0x1  }
0xae: {  	[sflag:s6] =	ssyncadd.s32 @p0 $0xFFFFFFFF  }
0xaf: {  	s7 =	sshll.u32 @!p0 s1, $0xE  }
0xb0: {  	s7 =	sor.u32 @!p0 $0x4000, s7;
	s6 =	simm.s32 @!p0 $0x1B8D  }
0xb1: {  	s5 =	sshll.u32 @!p0 s5, $0x11;
	s7 =	sadd.s32 @!p0 $0x11B8D, s7;
	_ =	swait.eq @!p0 [sflag:s6], $0x1  }
0xb2: {  	s5 =	sor.u32 @!p0 s5, s7;
	[sflag:s6] =	ssyncadd.s32 @!p0 $0xFFFFFFFF  }
0xb3: {  	s25 =	simm.s32 $0x1B8E;
	s24 =	sld [smem:$0x3FFE];
	[sflag:s5] =	ssyncadd.remote.s32 @!p0 $0x1  }
0xb4: {  	s26 =	simm.s32 $execute0_lowered;
	[smem:$0x3FD2] =	sst s25  }
0xb5: {  	s6 =	sshll.u32 s26, $0x1;
	_ =	strace $0x80000049;
	[dreg:$0x1] =	wrdreg $0xFFFFFFFF  }
0xb6: {  	s28 =	simm.s32 $_size_execute0_lowered;
	s4 =	sadd.s32 s4, s6;
	[dreg:$0x0] =	wrdreg $0x0  }
0xb7: {  	s6 =	sshll.u32 s28, $0x1;
	[dreg:$0x2] =	wrdreg s4  }
0xb8: {  	[dreg:$0x3] =	wrdreg s6  }
0xb9: {  	[dreg:$0x4] =	wrdreg $0xC0  }
0xba: {  	_ =	task [dreg:s22], $0x5FFFF  }
0xbb: {  	[dreg:$0x1] =	wrdreg $0xFFFFFFFF  }
0xbc: {  	[dreg:$0x0] =	wrdreg $0x60  }
0xbd: {  	[dreg:$0x2] =	wrdreg s24  }
0xbe: {  	[dreg:$0x3] =	wrdreg s18  }
0xbf: {  	[dreg:$0x4] =	wrdreg $0xA  }
0xc0: {  	_ =	task.clear_ibuf [dreg:s22], $0x5FFFF;
	_ =	strace $0x90000049  }
0xc1: {  	s29 =	simm.s32 $0xA;
	_ =	strace $0x8000004B  }
0xc2: {  	_ =	swait.ge [sflag:s29], $0x1  }
0xc3: {  	[sflag:s29] =	ssyncadd.s32 $0xFFFFFFFF  }
0xc4: {  	_ =	strace $0x9000004B  }
0xc5: {  	_ =	sfence  }
0xc6: {  	s30 =	sld [smem:$0x0];
	_ =	sdelay $0x2  }
0xc7: {  	s31 =	sshll.u32 s1, $0xD;
	s1 =	sshrl.u32 s1, $0x2  }
0xc8: {  	s4 =	sand.u32 $0x4000, s31;
	s1 =	sadd.s32 s1, s30  }
0xc9: {  	s0 =	sor.u32 s4, s0;
	s1 =	sshll.u32 s1, $0x11  }
0xca: {  	s0 =	sor.u32 s1, s0  }
0xcb: {  	s0 =	sadd.s32 $0x8F2B, s0  }
0xcc: {  	[sflag:s0] =	ssyncadd.remote.s32 $0x1  }
0xcd: {  	_ =	sfence.sel $0xFFFF  }
0xce: {  	[dreg:$0x0] =	wrdreg $0xFFFFFFFF;
	(pc) =	sbr.abs _section_cstart, $3  }
0xcf: {  	[dreg:$0x1] =	wrdreg $0xFFFFFFFF  }
0xd0: {  	_ =	task.clear_ibuf [dreg:s22], $0x2FFFF;
	_ =	strace $0x9FFFFFFF  }
0xd1: {  	(tm) =	ssettm $0x7FFFFFFF  }
tec
execute0_lowered:
.L_overlay_start_1:
0x0: {  	(tag) =	ssettag $0x1  }
0x1: {  	s0 =	rddreg [dreg:$0x0]  }
0x2: {  	s2 =	rddreg [dreg:$0x1];
	s1 =	srdreg.scid  }
0x3: {  	s11 =	stileid.u32;
	s3 =	simm.s32 $0x0;
	s13 =	simm.s32 $0x9000  }
0x4: {  	s16 =	simm.s32 $0x1;
	s17 =	simm.s32 $0x11000;
	s18 =	simm.s32 $0x2  }
0x5: {  	s19 =	simm.s32 $0x4;
	s20 =	simm.s32 $0x6;
	s21 =	simm.s32 $0x7  }
0x6: {  	s22 =	simm.s32 $0x8;
	s23 =	simm.s32 $0x9;
	s24 =	simm.s32 $0xA  }
0x7: {  	s25 =	simm.s32 $0x0;
	s1 =	sand.u32 $0x1, s1;
	s8 =	smul.u32 $0xC8000, s11  }
0x8: {  	s4 =	sshll.u32 s11, $0x1;
	[smem:$0x7FF] =	sst s3;
	s28 =	smul.u32 $0x19000, s11  }
0x9: {  	s4 =	sor.u32 s1, s4;
	_ =	strace $0x8000004A;
	s10 =	smul.u32 $0x64000, s1  }
0xa: {  	s7 =	ssub.s32 $0x2, s1;
	s5 =	sshll.u32 s4, $0x9;
	s6 =	smul.u32 $0xC800, s4  }
0xb: {  	s4 =	sadd.s32 $0x194E00, s0;
	s9 =	sshrl.u32 s7, $0x1;
	s0 =	sadd.s32 s5, s0  }
0xc: {  	s1 =	smul.u32 $0xC800, s1;
	s7 =	ssub.s32 s7, s9;
	s0 =	sadd.s32 $0x190E00, s0  }
0xd: {  	s6 =	sadd.s32 s4, s6;
	s31 =	smax.u32 s7, $0x1;
	[dreg:$0x6] =	wrdreg s0  }
0xe: {  	s29 =	sadd.s32 s10, s8;
	s26 =	sadd.s32 $0xA800, s6;
	[dreg:$0x7] =	wrdreg s31  }
0xf: {  	s8 =	sadd.s32 $0x10000, s29;
	s6 =	sadd.s32 $0xB800, s6;
	[dreg:$0x3] =	wrdreg s26  }
0x10: {  	s9 =	simm.s32 $0x80;
	s30 =	sshrl.u32 s8, $0x3;
	[dreg:$0x4] =	wrdreg s6  }
0x11: {  	s10 =	simm.s32 $0x1000;
	s7 =	sadd.s32 s1, s28;
	[dreg:$0x5] =	wrdreg s30  }
.LBB2_1:
0x12: {  	s0 =	rddreg [dreg:$0x6];
	s6 =	simm.s32 $0xB  }
0x13: {  	[tilespmem:s3], [sflag:$0xB] =	stream.linear.gather [hbm4b:s0+s3], $0xC80, $0x38;
	[tilespmem:$0x15000] =	vst v63  }
0x14: {  	_ =	swait.ge [sflag:s6], $0xC80  }
0x15: {  	[sflag:s6] =	ssyncset.done $0x0  }
0x16: {  	[sflag:s6] =	ssyncadd.s32 $0xFFFFF380  }
0x17: {  	[tilespmem:s10], [sflag:$0x1] =	stream.indirect.gather [hbm4b:s2+s9], $0x80, s3, s9, $0xb8;
	[tilespmem:$0x15000] =	vst v63  }
0x18: {  	s8 =	simm.s32 $0x5000  }
0x19: {  	[tilespmem:s8], [sflag:$0x2] =	stream.indirect.gather [hbm4b:s2+s9], $0x80, s9, s9, $0xb8;
	[tilespmem:$0x15000] =	vst v63  }
0x1a: {  	s11 =	simm.s32 $0x100  }
0x1b: {  	[tilespmem:s13], [sflag:$0x3] =	stream.indirect.gather [hbm4b:s2+s9], $0x80, s11, s9, $0xb8;
	[tilespmem:$0x15000] =	vst v63  }
0x1c: {  	s12 =	simm.s32 $0x180;
	s1 =	simm.s32 $0xD000  }
0x1d: {  	[tilespmem:s1], [sflag:$0x4] =	stream.indirect.gather [hbm4b:s2+s9], $0x80, s12, s9, $0xb8;
	[tilespmem:$0x15000] =	vst v63  }
0x1e: {  	_ =	swait.ge [sflag:s16], $0x4000  }
0x1f: {  	p0 =	por $0x1, $0x1;
	[sflag:s16] =	ssyncset.done $0x0  }
0x20: {  	s0 =	simm.s32 @!p0 $0xA;
	[sflag:s16] =	ssyncadd.s32 $0xFFFFC000  }
0x21: {  	_ =	swait.ge @!p0 [sflag:s0], $0x4000  }
0x22: {  	[sflag:s0] =	ssyncset.done @!p0 $0x0  }
0x23: {  	s14 =	simm.s32 $0x200;
	[sflag:s0] =	ssyncadd.s32 @!p0 $0xFFFFC000  }
0x24: {  	[tilespmem:s17], [sflag:$0x5] =	stream.indirect.gather [hbm4b:s2+s9], $0x80, s14, s9, $0xb8;
	[tilespmem:$0x15000] =	vst v63  }
0x25: {  	s15 =	sadd.s32 s4, s7  }
0x26: {  	[hbm4b:s15+s3] =	stream.linear.scatter [tilespmem:s10], [sflag:$0x6], $0x4000, $0x38;
	[tilespmem:$0x15000] =	vst v63  }
0x27: {  	p0 =	por $0x0, $0x0;
	_ =	swait.ge [sflag:s18], $0x4000  }
0x28: {  	s26 =	simm.s32 @p0 $0x0;
	s28 =	simm.s32 @p0 $0x5000;
	[sflag:s18] =	ssyncset.done $0x0  }
0x29: {  	s29 =	simm.s32 @p0 $0x3;
	s1 =	rddreg [dreg:$0x3];
	[sflag:s18] =	ssyncadd.s32 $0xFFFFC000  }
0x2a: {  	[hbm4b:s1+s26] =	stream.linear.scatter @p0 [tilespmem:s28], [sflag:$0x7], $0x4000, $0x38;
	[tilespmem:$0x15000] =	vst v63  }
0x2b: {  	_ =	swait.ge @p0 [sflag:s29], $0x4000  }
0x2c: {  	[sflag:s29] =	ssyncset.done @p0 $0x0  }
0x2d: {  	s1 =	simm.s32 @!p0 $0x6;
	[sflag:s29] =	ssyncadd.s32 @p0 $0xFFFFC000  }
0x2e: {  	_ =	swait.ge @!p0 [sflag:s1], $0x4000  }
0x2f: {  	s30 =	simm.s32 @!p0 $0x80;
	s31 =	simm.s32 @!p0 $0x1000;
	[sflag:s1] =	ssyncset.done @!p0 $0x0  }
0x30: {  	s28 =	sadd.s32 @!p0 s4, s7;
	s29 =	simm.s32 @!p0 $0x280;
	[sflag:s1] =	ssyncadd.s32 @!p0 $0xFFFFC000  }
0x31: {  	[tilespmem:s31], [sflag:$0x1] =	stream.indirect.gather @!p0 [hbm4b:s2+s30], $0x80, s29, s30, $0xb8;
	[tilespmem:$0x15000] =	vst v63  }
0x32: {  	s1 =	sadd.s32 @!p0 $0x800, s28;
	s29 =	simm.s32 @!p0 $0x0;
	s31 =	simm.s32 @!p0 $0x5000  }
0x33: {  	[hbm4b:s1+s29] =	stream.linear.scatter @!p0 [tilespmem:s31], [sflag:$0x7], $0x4000, $0x38;
	[tilespmem:$0x15000] =	vst v63  }
0x34: {  	s1 =	simm.s32 @!p0 $0x3  }
0x35: {  	_ =	swait.ge @!p0 [sflag:s1], $0x4000  }
0x36: {  	[sflag:s1] =	ssyncset.done @!p0 $0x0  }
0x37: {  	[sflag:s1] =	ssyncadd.s32 @!p0 $0xFFFFC000;
	s1 =	simm.s32 @!p0 $0x7  }
0x38: {  	_ =	swait.ge @!p0 [sflag:s1], $0x4000  }
0x39: {  	[sflag:s1] =	ssyncset.done @!p0 $0x0  }
0x3a: {  	[sflag:s1] =	ssyncadd.s32 @!p0 $0xFFFFC000;
	s1 =	simm.s32 @!p0 $0x300  }
0x3b: {  	[tilespmem:s31], [sflag:$0x2] =	stream.indirect.gather @!p0 [hbm4b:s2+s30], $0x80, s1, s30, $0xb8;
	[tilespmem:$0x15000] =	vst v63  }
0x3c: {  	s0 =	sadd.s32 $0x1000, s15  }
0x3d: {  	[hbm4b:s0+s3] =	stream.linear.scatter [tilespmem:s13], [sflag:$0x8], $0x4000, $0x38;
	[tilespmem:$0x15000] =	vst v63  }
0x3e: {  	_ =	swait.ge [sflag:s19], $0x4000  }
0x3f: {  	[sflag:s19] =	ssyncset.done $0x0  }
0x40: {  	s1 =	simm.s32 @p0 $0xD000;
	s0 =	rddreg [dreg:$0x4];
	[sflag:s19] =	ssyncadd.s32 $0xFFFFC000  }
0x41: {  	[hbm4b:s0+s26] =	stream.linear.scatter @p0 [tilespmem:s1], [sflag:$0x9], $0x4000, $0x38;
	[tilespmem:$0x15000] =	vst v63  }
0x42: {  	s0 =	simm.s32 @p0 $0x5  }
0x43: {  	_ =	swait.ge @p0 [sflag:s0], $0x4000  }
0x44: {  	[sflag:s0] =	ssyncset.done @p0 $0x0  }
0x45: {  	s1 =	simm.s32 @!p0 $0x8;
	[sflag:s0] =	ssyncadd.s32 @p0 $0xFFFFC000  }
0x46: {  	_ =	swait.ge @!p0 [sflag:s1], $0x4000  }
0x47: {  	[sflag:s1] =	ssyncset.done @!p0 $0x0  }
0x48: {  	s0 =	simm.s32 @!p0 $0x380;
	[sflag:s1] =	ssyncadd.s32 @!p0 $0xFFFFC000;
	s1 =	simm.s32 @!p0 $0x9000  }
0x49: {  	[tilespmem:s1], [sflag:$0x3] =	stream.indirect.gather @!p0 [hbm4b:s2+s30], $0x80, s0, s30, $0xb8;
	[tilespmem:$0x15000] =	vst v63  }
0x4a: {  	s0 =	sadd.s32 @!p0 $0x1800, s28;
	s1 =	simm.s32 @!p0 $0xD000  }
0x4b: {  	[hbm4b:s0+s29] =	stream.linear.scatter @!p0 [tilespmem:s1], [sflag:$0x9], $0x4000, $0x38;
	[tilespmem:$0x15000] =	vst v63  }
0x4c: {  	s0 =	simm.s32 @!p0 $0x5  }
0x4d: {  	_ =	swait.ge @!p0 [sflag:s0], $0x4000  }
0x4e: {  	[sflag:s0] =	ssyncset.done @!p0 $0x0  }
0x4f: {  	[sflag:s0] =	ssyncadd.s32 @!p0 $0xFFFFC000;
	s0 =	simm.s32 @!p0 $0x9  }
0x50: {  	_ =	swait.ge @!p0 [sflag:s0], $0x4000  }
0x51: {  	[sflag:s0] =	ssyncset.done @!p0 $0x0  }
0x52: {  	[sflag:s0] =	ssyncadd.s32 @!p0 $0xFFFFC000;
	s0 =	simm.s32 @!p0 $0x400  }
0x53: {  	[tilespmem:s1], [sflag:$0x4] =	stream.indirect.gather @!p0 [hbm4b:s2+s30], $0x80, s0, s30, $0xb8;
	[tilespmem:$0x15000] =	vst v63  }
0x54: {  	s26 =	simm.s32 $0xA00;
	s28 =	smov.u32 s4;
	s0 =	rddreg [dreg:$0x5]  }
.LBB2_2:
0x55: {  	s0 =	sadd.s32 s28, s0  }
0x56: {  	[hbm4b:s0+s3] =	stream.linear.scatter [tilespmem:s17], [sflag:$0xA], $0x4000, $0x38;
	[tilespmem:$0x15000] =	vst v63  }
0x57: {  	s1 =	smov.u32 s26;
	_ =	swait.ge [sflag:s16], $0x4000  }
0x58: {  	p1 =	seq.s32 s1, $0x0;
	[sflag:s16] =	ssyncset.done $0x0  }
0x59: {  	s0 =	simm.s32 @!p1 $0xA;
	[sflag:s16] =	ssyncadd.s32 $0xFFFFC000  }
0x5a: {  	_ =	swait.ge @!p1 [sflag:s0], $0x4000  }
0x5b: {  	s29 =	sshra.s32 s1, $0x2;
	[sflag:s0] =	ssyncset.done @!p1 $0x0  }
0x5c: {  	s28 =	sadd.s32 $0x2800, s28;
	s29 =	sadd.s32 $0x200, s29;
	[sflag:s0] =	ssyncadd.s32 @!p1 $0xFFFFC000  }
0x5d: {  	[tilespmem:s17], [sflag:$0x5] =	stream.indirect.gather [hbm4b:s2+s9], $0x80, s29, s9, $0xb8;
	[tilespmem:$0x15000] =	vst v63  }
0x5e: {  	s11 =	sadd.s32 s28, s7  }
0x5f: {  	[hbm4b:s11+s3] =	stream.linear.scatter [tilespmem:s10], [sflag:$0x6], $0x4000, $0x38;
	[tilespmem:$0x15000] =	vst v63  }
0x60: {  	p1 =	seq.s32 s1, $0x2800;
	_ =	swait.ge [sflag:s18], $0x4000  }
0x61: {  	s0 =	simm.s32 @p1 $0x0;
	s30 =	simm.s32 @p1 $0x5000;
	[sflag:s18] =	ssyncset.done $0x0  }
0x62: {  	s31 =	simm.s32 @p1 $0x3;
	s29 =	rddreg [dreg:$0x3];
	[sflag:s18] =	ssyncadd.s32 $0xFFFFC000  }
0x63: {  	[hbm4b:s29+s0] =	stream.linear.scatter @p1 [tilespmem:s30], [sflag:$0x7], $0x4000, $0x38;
	[tilespmem:$0x15000] =	vst v63  }
0x64: {  	s12 =	sshra.s32 @!p1 s1, $0x2;
	_ =	swait.ge @p1 [sflag:s31], $0x4000  }
0x65: {  	s14 =	sadd.s32 @!p1 s28, s7;
	s6 =	simm.s32 @!p1 $0x6;
	[sflag:s31] =	ssyncset.done @p1 $0x0  }
0x66: {  	s15 =	sadd.s32 @!p1 $0x280, s12;
	s5 =	sadd.s32 @!p1 $0x800, s14;
	[sflag:s31] =	ssyncadd.s32 @p1 $0xFFFFC000  }
0x67: {  	s8 =	sadd.s32 @!p1 $0x300, s12;
	s1 =	sadd.s32 @!p1 $0x380, s12;
	_ =	swait.ge @!p1 [sflag:s6], $0x4000  }
0x68: {  	s29 =	sadd.s32 @!p1 $0x400, s12;
	s30 =	simm.s32 @!p1 $0x80;
	[sflag:s6] =	ssyncset.done @!p1 $0x0  }
0x69: {  	s12 =	simm.s32 @!p1 $0x1000;
	s31 =	sadd.s32 @!p1 $0x1800, s14;
	[sflag:s6] =	ssyncadd.s32 @!p1 $0xFFFFC000  }
0x6a: {  	[tilespmem:s12], [sflag:$0x1] =	stream.indirect.gather @!p1 [hbm4b:s2+s30], $0x80, s15, s30, $0xb8;
	[tilespmem:$0x15000] =	vst v63  }
0x6b: {  	s14 =	simm.s32 @!p1 $0x5000;
	s6 =	simm.s32 @!p1 $0x0;
	s12 =	simm.s32 @!p1 $0x3  }
0x6c: {  	[hbm4b:s5+s6] =	stream.linear.scatter @!p1 [tilespmem:s14], [sflag:$0x7], $0x4000, $0x38;
	[tilespmem:$0x15000] =	vst v63  }
0x6d: {  	_ =	swait.ge @!p1 [sflag:s12], $0x4000  }
0x6e: {  	[sflag:s12] =	ssyncset.done @!p1 $0x0  }
0x6f: {  	s5 =	simm.s32 @!p1 $0x7;
	[sflag:s12] =	ssyncadd.s32 @!p1 $0xFFFFC000  }
0x70: {  	_ =	swait.ge @!p1 [sflag:s5], $0x4000  }
0x71: {  	[sflag:s5] =	ssyncset.done @!p1 $0x0  }
0x72: {  	[sflag:s5] =	ssyncadd.s32 @!p1 $0xFFFFC000  }
0x73: {  	[tilespmem:s14], [sflag:$0x2] =	stream.indirect.gather @!p1 [hbm4b:s2+s30], $0x80, s8, s30, $0xb8;
	[tilespmem:$0x15000] =	vst v63  }
0x74: {  	s15 =	sadd.s32 $0x1000, s11  }
0x75: {  	[hbm4b:s15+s3] =	stream.linear.scatter [tilespmem:s13], [sflag:$0x8], $0x4000, $0x38;
	[tilespmem:$0x15000] =	vst v63  }
0x76: {  	_ =	swait.ge [sflag:s19], $0x4000  }
0x77: {  	s11 =	simm.s32 @p1 $0x5;
	[sflag:s19] =	ssyncset.done $0x0  }
0x78: {  	s8 =	simm.s32 @p1 $0xD000;
	s5 =	rddreg [dreg:$0x4];
	[sflag:s19] =	ssyncadd.s32 $0xFFFFC000  }
0x79: {  	[hbm4b:s5+s0] =	stream.linear.scatter @p1 [tilespmem:s8], [sflag:$0x9], $0x4000, $0x38;
	[tilespmem:$0x15000] =	vst v63  }
0x7a: {  	_ =	swait.ge @p1 [sflag:s11], $0x4000  }
0x7b: {  	[sflag:s11] =	ssyncset.done @p1 $0x0  }
0x7c: {  	s0 =	simm.s32 @!p1 $0x8;
	[sflag:s11] =	ssyncadd.s32 @p1 $0xFFFFC000  }
0x7d: {  	_ =	swait.ge @!p1 [sflag:s0], $0x4000  }
0x7e: {  	[sflag:s0] =	ssyncset.done @!p1 $0x0  }
0x7f: {  	s5 =	simm.s32 @!p1 $0x9000;
	[sflag:s0] =	ssyncadd.s32 @!p1 $0xFFFFC000  }
0x80: {  	[tilespmem:s5], [sflag:$0x3] =	stream.indirect.gather @!p1 [hbm4b:s2+s30], $0x80, s1, s30, $0xb8;
	[tilespmem:$0x15000] =	vst v63  }
0x81: {  	s8 =	simm.s32 @!p1 $0xD000;
	s0 =	simm.s32 @!p1 $0x5  }
0x82: {  	[hbm4b:s31+s6] =	stream.linear.scatter @!p1 [tilespmem:s8], [sflag:$0x9], $0x4000, $0x38;
	[tilespmem:$0x15000] =	vst v63  }
0x83: {  	s26 =	sadd.s32 $0xA00, s26;
	_ =	swait.ge @!p1 [sflag:s0], $0x4000  }
0x84: {  	p0 =	sne.s32 s26, $0x3200;
	[sflag:s0] =	ssyncset.done @!p1 $0x0  }
.Ltmp0:
0x85: {  	s1 =	simm.s32 @!p1 $0x9;
	[sflag:s0] =	ssyncadd.s32 @!p1 $0xFFFFC000;
	(pc) =	sbr.rel @p0 .LBB2_2-.Ltmp0, $4  }
0x86: {  	_ =	swait.ge @!p1 [sflag:s1], $0x4000  }
0x87: {  	[sflag:s1] =	ssyncset.done @!p1 $0x0  }
0x88: {  	s0 =	rddreg [dreg:$0x5];
	[sflag:s1] =	ssyncadd.s32 @!p1 $0xFFFFC000  }
0x89: {  	[tilespmem:s8], [sflag:$0x4] =	stream.indirect.gather @!p1 [hbm4b:s2+s30], $0x80, s29, s30, $0xb8;
	[tilespmem:$0x15000] =	vst v63  }
0x8a: {  	s0 =	sadd.s32 s28, s0  }
0x8b: {  	[hbm4b:s0+s3] =	stream.linear.scatter [tilespmem:s17], [sflag:$0xA], $0x4000, $0x38;
	[tilespmem:$0x15000] =	vst v63  }
0x8c: {  	_ =	swait.ge [sflag:s20], $0x4000  }
0x8d: {  	[sflag:s20] =	ssyncset.done $0x0  }
0x8e: {  	[sflag:s20] =	ssyncadd.s32 $0xFFFFC000  }
0x8f: {  	_ =	swait.ge [sflag:s21], $0x4000  }
0x90: {  	[sflag:s21] =	ssyncset.done $0x0  }
0x91: {  	[sflag:s21] =	ssyncadd.s32 $0xFFFFC000  }
0x92: {  	_ =	swait.ge [sflag:s22], $0x4000  }
0x93: {  	[sflag:s22] =	ssyncset.done $0x0  }
0x94: {  	[sflag:s22] =	ssyncadd.s32 $0xFFFFC000  }
0x95: {  	_ =	swait.ge [sflag:s23], $0x4000  }
0x96: {  	[sflag:s23] =	ssyncset.done $0x0  }
0x97: {  	[sflag:s23] =	ssyncadd.s32 $0xFFFFC000  }
0x98: {  	_ =	swait.ge [sflag:s24], $0x4000  }
0x99: {  	s25 =	sadd.s32 $0x1, s25;
	s31 =	rddreg [dreg:$0x7]  }
0x9a: {  	p0 =	sne.s32 s25, s31  }
.Ltmp1:
0x9b: {  	_ = 	snop;
	(pc) =	sbr.rel @p0 .LBB2_1-.Ltmp1, $3  }
0x9c: {  	_ =	sdelay $0x1  }
0x9d: {  	[sflag:s24] =	ssyncset.done $0x0  }
0x9e: {  	[sflag:s24] =	ssyncadd.s32 $0xFFFFC000  }
0x9f: {  	_ =	sfence.sel $0x180000  }
0xa0: {  	[bflag:$0x0] =	sbarrier.arrive $0xFFFF  }
0xa1: {  	_ =	strace $0x9000004A  }
0xa2: {  	s0 =	stileid.u32;
	[bflag:$0x2] =	sbarrier.arrive $0xFFFF  }
0xa3: {  	p0 =	sne.s32 s0, $0x0;
	s0 =	rddreg [dreg:$0x2]  }
0xa4: {  	s0 =	sadd.s32 @!p0 $0x100000, s0  }
0xa5: {  	[sflag:s0] =	ssyncadd.tile.s32 @!p0 $0x1;
	_ =	shalt  }
.Lfunc_end2:
_tile_overlayer_lowered:
.L_overlay_start_2:
0xa6: {  	(tag) =	ssettag $0x2  }
0xa7: {  	s0 =	rddreg [dreg:$0x0];
	s2 =	stileid.u32  }
0xa8: {  	s1 =	rddreg [dreg:$0x1];
	p0 =	sne.s32 s2, $0x0  }
0xa9: {  	s3 =	rddreg [dreg:$0x2];
	[bflag:$0x3] =	sbarrier.arrive $0xFFFF;
	s2 =	simm.s32 @!p0 $0x1C0B  }
0xaa: {  	[timem:s3], [sflag:s2] =	dma.local @!p0 [hbm:s0], s1  }
0xab: {  	s0 =	simm.s32 @!p0 $0xB  }
0xac: {  	_ =	swait.ge @!p0 [sflag:s0], s1  }
0xad: {  	s1 =	ssub.s32 @!p0 $0x0, s1;
	[sflag:s0] =	ssyncset.done @!p0 $0x0  }
0xae: {  	[sflag:s0] =	ssyncadd.s32 @!p0 s1  }
0xaf: {  	[bflag:$0x3] =	sbarrier.arrive $0xFFFF  }
0xb0: {  	_ =	shalt  }

</sc_bundles>
